<compile_context>
chip_gen: v7x
topology: tpu7x:2x2x1
jax: 0.10.2.dev20260603
libtpu: 0.0.44.dev20260713+nightly
codegen_flags: <defaults>
</compile_context>

<pallas_src>
import functools

import jax
import jax.numpy as jnp
from jax import lax
from jax.experimental import pallas as pl
from jax.experimental.pallas import tpu as pltpu
from jax.experimental.pallas import tpu_sc as plsc

_N = 100000
_NOUT = 100096
_E = 1600000
_EP = 1638400
_V = 32

_PACK = 4
_E4 = _E // _PACK
_EP4 = _EP // _PACK
_EB4 = 3200
_GRID = _E4 // _EB4


def _premix_body(xe_ref, w_ref, ab_ref, p_ref, q_ref):
    m = xe_ref[...] * w_ref[...]
    p_ref[...] = jnp.dot(m, ab_ref[0], preferred_element_type=jnp.float32)
    q_ref[...] = jnp.dot(m, ab_ref[1], preferred_element_type=jnp.float32)


def _premix(xe4, w4, ab):
    return pl.pallas_call(
        _premix_body,
        grid=(_GRID,),
        in_specs=[
            pl.BlockSpec((_EB4, 128), lambda i: (i, 0)),
            pl.BlockSpec((_EB4, 128), lambda i: (i, 0)),
            pl.BlockSpec((2, 128, 128), lambda i: (0, 0, 0)),
        ],
        out_specs=[
            pl.BlockSpec((_EB4, 128), lambda i: (i, 0)),
            pl.BlockSpec((_EB4, 128), lambda i: (i, 0)),
        ],
        out_shape=[
            jax.ShapeDtypeStruct((_EP4, 128), jnp.float32),
            jax.ShapeDtypeStruct((_EP4, 128), jnp.float32),
        ],
    )(xe4, w4, ab)


_NC = 2
_NS = 16
_HALF = _N // _NC
_DUMMY = _HALF
_ACC_ROWS = 50016
_ZROWS = _ACC_ROWS // _NS
_EPT = _EP // _NS
_CH = 128
_JP = _EPT // _CH
_IDXROWS = _EP // _CH
_DROWS = _HALF - (_NS - 1) * _ZROWS

_mesh = plsc.VectorSubcoreMesh(core_axis_name="c", subcore_axis_name="s")


@functools.partial(
    pl.kernel,
    out_type=jax.ShapeDtypeStruct((_NOUT, _V), jnp.float32),
    mesh=_mesh,
    compiler_params=pltpu.CompilerParams(use_tc_tiling_on_sc=False),
    scratch_types=[
        pltpu.VMEM_SHARED((_ACC_ROWS, _V), jnp.float32),
        [pltpu.VMEM((_CH, _V), jnp.float32) for _ in range(3)],
        [pltpu.VMEM((_CH, _V), jnp.float32) for _ in range(3)],
        [pltpu.VMEM((1, _CH), jnp.int32) for _ in range(3)],
        [pltpu.VMEM((1, _CH), jnp.int32) for _ in range(3)],
        [pltpu.SemaphoreType.DMA for _ in range(3)],
        [pltpu.SemaphoreType.DMA for _ in range(3)],
    ],
)
def _scatter_kernel(p_hbm, q_hbm, dst_hbm, src_hbm, zeros_hbm, out_hbm,
                    acc, vp, vq, ip, iq, lsem, ssem):
    c = lax.axis_index("c")
    s = lax.axis_index("s")
    pltpu.sync_copy(zeros_hbm, acc.at[pl.ds(s * _ZROWS, _ZROWS)])
    plsc.subcore_barrier()
    lo = c * _HALF

    def loads(p, b):
        eb = s * _EPT + p * _CH
        r = s * _JP + p
        return (
            pltpu.make_async_copy(p_hbm.at[pl.ds(eb, _CH)], vp[b], lsem[b]),
            pltpu.make_async_copy(q_hbm.at[pl.ds(eb, _CH)], vq[b], lsem[b]),
            pltpu.make_async_copy(dst_hbm.at[pl.ds(r, 1)], ip[b], lsem[b]),
            pltpu.make_async_copy(src_hbm.at[pl.ds(r, 1)], iq[b], lsem[b]),
        )

    def scatters(b):
        return (
            pltpu.make_async_copy(vp[b], acc.at[ip[b].at[0]], ssem[b]),
            pltpu.make_async_copy(vq[b], acc.at[iq[b].at[0]], ssem[b]),
        )

    for d in loads(0, 0):
        d.start()

    def outer(k, carry):
        for q in range(3):
            p = 3 * k + q

            @pl.when(p < _JP)
            def _step():
                @pl.when(p >= 2)
                def _drain():
                    for d in scatters((q + 1) % 3):
                        d.wait()

                @pl.when(p + 1 < _JP)
                def _prefetch():
                    for d in loads(p + 1, (q + 1) % 3):
                        d.start()

                for d in loads(p, q):
                    d.wait()
                for kk in range(_CH // 16):
                    sl = pl.ds(kk * 16, 16)
                    v = ip[q][0, sl] - lo
                    ip[q][0, sl] = jnp.where((v >= 0) & (v < _HALF), v, _DUMMY)
                    u = iq[q][0, sl] - lo
                    iq[q][0, sl] = jnp.where((u >= 0) & (u < _HALF), u, _DUMMY)
                pltpu.async_copy(vp[q], acc.at[ip[q].at[0]], ssem[q], add=True)
                pltpu.async_copy(vq[q], acc.at[iq[q].at[0]], ssem[q], add=True)

        return carry

    lax.fori_loop(0, (_JP + 2) // 3, outer, 0)
    for b in (0, 1):
        for d in scatters(b):
            d.wait()
    plsc.subcore_barrier()
    obase = c * _HALF + s * _ZROWS

    @pl.when(s < _NS - 1)
    def _dump_full():
        pltpu.sync_copy(acc.at[pl.ds(s * _ZROWS, _ZROWS)],
                        out_hbm.at[pl.ds(obase, _ZROWS)])

    @pl.when(s == _NS - 1)
    def _dump_tail():
        pltpu.sync_copy(acc.at[pl.ds(s * _ZROWS, _DROWS)],
                        out_hbm.at[pl.ds(obase, _DROWS)])


def _pad_idx(idx):
    pad = jnp.full((_EP - _E,), _N, jnp.int32)
    return jnp.concatenate([idx.astype(jnp.int32), pad]).reshape(_IDXROWS, _CH)


def kernel(xe, xe_src, xe_dst, W, M1, M2):
    a = (M1 + M2) * 0.5
    b = (M2 - M1) * 0.5
    eye4 = jnp.eye(_PACK, dtype=jnp.float32)
    ab = jnp.stack([jnp.kron(eye4, a), jnp.kron(eye4, b)])
    p4, q4 = _premix(xe.reshape(_E4, 128), W.reshape(_E4, 128), ab)
    p = p4.reshape(_EP, _V)
    q = q4.reshape(_EP, _V)
    zeros = jnp.zeros((_ZROWS, _V), jnp.float32)
    out = _scatter_kernel(p, q, _pad_idx(xe_dst), _pad_idx(xe_src), zeros)
    return out[:_N].reshape(_N, 1, _V)

# --- scband reference (transcript-rebuilt; emitter-appended) ---
"""Pipeline reference for scband-edges-to-nodes-57329223467233 (READ-ONLY COPY).

The authoritative reference and input builder live on the scoring server;
editing this copy changes nothing except your own understanding.
"""

import jax, jax.numpy as jnp
import numpy as np

N_NODES = 100000
N_EDGES = 1600000
N_VEC = 32

def setup_inputs(seed: int = 0) -> dict:
    key = jax.random.key(seed)
    k_xe, k_w, k_src, k_dst, k_m1, k_m2 = jax.random.split(key, 6)
    xe = jax.random.normal(k_xe, (N_EDGES, 1, N_VEC), dtype=jnp.float32)
    W = jax.random.normal(k_w, (N_EDGES, N_VEC), dtype=jnp.float32)
    xe_src = jax.random.randint(k_src, (N_EDGES,), 0, N_NODES, dtype=jnp.int64 if jax.config.read('jax_enable_x64') else jnp.int32)
    xe_dst = jax.random.randint(k_dst, (N_EDGES,), 0, N_NODES, dtype=jnp.int64 if jax.config.read('jax_enable_x64') else jnp.int32)
    # learned parameters of MixVecVec (stdv = 1)
    M1 = jax.random.normal(k_m1, (N_VEC, N_VEC), dtype=jnp.float32)
    M2 = jax.random.normal(k_m2, (N_VEC, N_VEC), dtype=jnp.float32)
    return {"xe": xe, "xe_src": xe_src, "xe_dst": xe_dst, "W": W, "M1": M1, "M2": M2}

def reference(xe, xe_src, xe_dst, W, M1, M2):
    msg = W[:, None, :] * xe                                   # [E, 1, n_vec]
    xn_1 = jax.ops.segment_sum(msg, xe_dst, num_segments=N_NODES)  # scatter-add by dst
    xn_2 = jax.ops.segment_sum(msg, xe_src, num_segments=N_NODES)  # scatter-add by src
    xn_div = xn_1 - xn_2
    xn_ave = xn_1 + xn_2
    # MixVecVec: (x1 @ M1 + x2 @ M2) / 2
    xn = (xn_div @ M1 + xn_ave @ M2) / 2.0
    return xn

if __name__ == "__main__":
    import jax
    _d = setup_inputs()
    print(jax.jit(kernel)(*tuple(_d.values())))

</pallas_src>

<mosaic_0001>
#map = affine_map<(d0, d1) -> (0, 0)>
module attributes {stable_mosaic.version = 14 : i64} {
  func.func @_scatter_kernel(%arg0: i32, %arg1: i32, %arg2: memref<1638400x32xf32, #tpu.memory_space<hbm>>, %arg3: memref<1638400x32xf32, #tpu.memory_space<hbm>>, %arg4: memref<12800x128xi32, #tpu.memory_space<hbm>>, %arg5: memref<12800x128xi32, #tpu.memory_space<hbm>>, %arg6: memref<3126x32xf32, #tpu.memory_space<hbm>>, %arg7: memref<100096x32xf32, #tpu.memory_space<hbm>>, %arg8: memref<50016x32xf32, #tpu.memory_space<vmem_shared>>, %arg9: memref<128x32xf32, #tpu.memory_space<vmem>>, %arg10: memref<128x32xf32, #tpu.memory_space<vmem>>, %arg11: memref<128x32xf32, #tpu.memory_space<vmem>>, %arg12: memref<128x32xf32, #tpu.memory_space<vmem>>, %arg13: memref<128x32xf32, #tpu.memory_space<vmem>>, %arg14: memref<128x32xf32, #tpu.memory_space<vmem>>, %arg15: memref<1x128xi32, #tpu.memory_space<vmem>>, %arg16: memref<1x128xi32, #tpu.memory_space<vmem>>, %arg17: memref<1x128xi32, #tpu.memory_space<vmem>>, %arg18: memref<1x128xi32, #tpu.memory_space<vmem>>, %arg19: memref<1x128xi32, #tpu.memory_space<vmem>>, %arg20: memref<1x128xi32, #tpu.memory_space<vmem>>, %arg21: memref<!tpu.dma_semaphore, #tpu.memory_space<semaphore_mem>>, %arg22: memref<!tpu.dma_semaphore, #tpu.memory_space<semaphore_mem>>, %arg23: memref<!tpu.dma_semaphore, #tpu.memory_space<semaphore_mem>>, %arg24: memref<!tpu.dma_semaphore, #tpu.memory_space<semaphore_mem>>, %arg25: memref<!tpu.dma_semaphore, #tpu.memory_space<semaphore_mem>>, %arg26: memref<!tpu.dma_semaphore, #tpu.memory_space<semaphore_mem>>) attributes {dimension_semantics = [#tpu.dimension_semantics<core_parallel>, #tpu.dimension_semantics<subcore_parallel>], iteration_bounds = array<i64: 2, 16>, scalar_prefetch = 0 : i64, scratch_operands = 19 : i64, tpu.core_type = #tpu.core_type<sc_vector_subcore>, window_params = [{transform_indices = #map}, {transform_indices = #map}, {transform_indices = #map}, {transform_indices = #map}, {transform_indices = #map}, {transform_indices = #map}]} {
    %mul3A = arith.constant 3126 : i32
    %mul3A_0 = arith.muli %arg1, %mul3A : i32
    "tpu.region"() ({
      %run_scoped3A = tpu.sem_alloc : memref<!tpu.dma_semaphore, #tpu.memory_space<semaphore_mem>>
      %dma_start3A_69 = arith.constant 0 : i32
      %dma_start3A_70 = tpu.memref_slice %arg8[%mul3A_0, %dma_start3A_69] : memref<50016x32xf32, #tpu.memory_space<vmem_shared>> -> memref<3126x32xf32, #tpu.memory_space<vmem_shared>>
      tpu.enqueue_dma source(%arg6 : memref<3126x32xf32, #tpu.memory_space<hbm>>) target(%dma_start3A_70 : memref<3126x32xf32, #tpu.memory_space<vmem_shared>>) target_semaphore(%run_scoped3A : memref<!tpu.dma_semaphore, #tpu.memory_space<semaphore_mem>>)
      %dma_wait3A_71 = arith.constant 0 : i32
      %dma_wait3A_72 = tpu.memref_slice %arg8[%mul3A_0, %dma_wait3A_71] : memref<50016x32xf32, #tpu.memory_space<vmem_shared>> -> memref<3126x32xf32, #tpu.memory_space<vmem_shared>>
      tpu.wait_dma2 semaphore(%run_scoped3A : memref<!tpu.dma_semaphore, #tpu.memory_space<semaphore_mem>>) src(%arg6 : memref<3126x32xf32, #tpu.memory_space<hbm>>) dst(%dma_wait3A_72 : memref<3126x32xf32, #tpu.memory_space<vmem_shared>>)
      tpu.yield
    }) : () -> ()
    %barrier3A = arith.constant 0 : index
    tpu.barrier barrier_id(%barrier3A)
    %mul3A_1 = arith.constant 50000 : i32
    %mul3A_2 = arith.muli %arg0, %mul3A_1 : i32
    %mul3A_3 = arith.constant 102400 : i32
    %mul3A_4 = arith.muli %arg1, %mul3A_3 : i32
    %add3A = arith.constant 0 : i32
    %add3A_5 = arith.addi %mul3A_4, %add3A : i32
    %mul3A_6 = arith.constant 800 : i32
    %mul3A_7 = arith.muli %arg1, %mul3A_6 : i32
    %add3A_8 = arith.constant 0 : i32
    %add3A_9 = arith.addi %mul3A_7, %add3A_8 : i32
    %dma_start3A = arith.constant 0 : i32
    %dma_start3A_10 = tpu.memref_slice %arg2[%add3A_5, %dma_start3A] : memref<1638400x32xf32, #tpu.memory_space<hbm>> -> memref<128x32xf32, #tpu.memory_space<hbm>>
    %dma_start3A_11 = arith.constant 0 : i32
    %dma_start3A_12 = tpu.memref_slice %arg2[%add3A_5, %dma_start3A_11] : memref<1638400x32xf32, #tpu.memory_space<hbm>> -> memref<128x32xf32, #tpu.memory_space<hbm>>
    tpu.enqueue_dma source(%dma_start3A_12 : memref<128x32xf32, #tpu.memory_space<hbm>>) target(%arg9 : memref<128x32xf32, #tpu.memory_space<vmem>>) target_semaphore(%arg21 : memref<!tpu.dma_semaphore, #tpu.memory_space<semaphore_mem>>)
    %dma_start3A_13 = arith.constant 0 : i32
    %dma_start3A_14 = tpu.memref_slice %arg3[%add3A_5, %dma_start3A_13] : memref<1638400x32xf32, #tpu.memory_space<hbm>> -> memref<128x32xf32, #tpu.memory_space<hbm>>
    %dma_start3A_15 = arith.constant 0 : i32
    %dma_start3A_16 = tpu.memref_slice %arg3[%add3A_5, %dma_start3A_15] : memref<1638400x32xf32, #tpu.memory_space<hbm>> -> memref<128x32xf32, #tpu.memory_space<hbm>>
    tpu.enqueue_dma source(%dma_start3A_16 : memref<128x32xf32, #tpu.memory_space<hbm>>) target(%arg12 : memref<128x32xf32, #tpu.memory_space<vmem>>) target_semaphore(%arg21 : memref<!tpu.dma_semaphore, #tpu.memory_space<semaphore_mem>>)
    %dma_start3A_17 = arith.constant 0 : i32
    %dma_start3A_18 = tpu.memref_slice %arg4[%add3A_9, %dma_start3A_17] : memref<12800x128xi32, #tpu.memory_space<hbm>> -> memref<1x128xi32, #tpu.memory_space<hbm>>
    %dma_start3A_19 = arith.constant 0 : i32
    %dma_start3A_20 = tpu.memref_slice %arg4[%add3A_9, %dma_start3A_19] : memref<12800x128xi32, #tpu.memory_space<hbm>> -> memref<1x128xi32, #tpu.memory_space<hbm>>
    tpu.enqueue_dma source(%dma_start3A_20 : memref<1x128xi32, #tpu.memory_space<hbm>>) target(%arg15 : memref<1x128xi32, #tpu.memory_space<vmem>>) target_semaphore(%arg21 : memref<!tpu.dma_semaphore, #tpu.memory_space<semaphore_mem>>)
    %dma_start3A_21 = arith.constant 0 : i32
    %dma_start3A_22 = tpu.memref_slice %arg5[%add3A_9, %dma_start3A_21] : memref<12800x128xi32, #tpu.memory_space<hbm>> -> memref<1x128xi32, #tpu.memory_space<hbm>>
    %dma_start3A_23 = arith.constant 0 : i32
    %dma_start3A_24 = tpu.memref_slice %arg5[%add3A_9, %dma_start3A_23] : memref<12800x128xi32, #tpu.memory_space<hbm>> -> memref<1x128xi32, #tpu.memory_space<hbm>>
    tpu.enqueue_dma source(%dma_start3A_24 : memref<1x128xi32, #tpu.memory_space<hbm>>) target(%arg18 : memref<1x128xi32, #tpu.memory_space<vmem>>) target_semaphore(%arg21 : memref<!tpu.dma_semaphore, #tpu.memory_space<semaphore_mem>>)
    %scan3A = arith.constant 0 : i32
    %scan3A_25 = arith.constant 0 : i32
    %scan3A_26 = arith.constant 267 : i32
    %scan3A_27 = arith.addi %scan3A_25, %scan3A_26 : i32
    %scan3A_28 = arith.constant 1 : i32
    scf.for %scan3A_69 = %scan3A_25 to %scan3A_27 step %scan3A_28  : i32 {
      %mul3A_70 = arith.constant 3 : i32
      %mul3A_71 = arith.muli %mul3A_70, %scan3A_69 : i32
      %add3A_72 = arith.constant 0 : i32
      %add3A_73 = arith.addi %mul3A_71, %add3A_72 : i32
      %lt3A_74 = arith.constant 800 : i32
      %lt3A_75 = arith.cmpi slt, %add3A_73, %lt3A_74 : i32
      %convert_element_type3A_76 = arith.extui %lt3A_75 : i1 to i32
      %cond3A_77 = arith.constant 0 : i32
      %cond3A_78 = arith.cmpi ne, %convert_element_type3A_76, %cond3A_77 : i32
      scf.if %cond3A_78 {
        %ge3A = arith.constant 2 : i32
        %ge3A_97 = arith.cmpi sge, %add3A_73, %ge3A : i32
        %convert_element_type3A_98 = arith.extui %ge3A_97 : i1 to i32
        %cond3A_99 = arith.constant 0 : i32
        %cond3A_100 = arith.cmpi ne, %convert_element_type3A_98, %cond3A_99 : i32
        scf.if %cond3A_100 {
          %dma_wait3A_507 = arith.constant 0 : i32
          %dma_wait3A_508 = arith.constant 0 : i32
          %dma_wait3A_509 = tpu.memref_slice %arg16[%dma_wait3A_507, %dma_wait3A_508] : memref<1x128xi32, #tpu.memory_space<vmem>> -> memref<1x128xi32, #tpu.memory_space<vmem>>
          %dma_wait3A_510 = tpu.memref_squeeze %dma_wait3A_509 : memref<1x128xi32, #tpu.memory_space<vmem>> -> memref<128xi32, #tpu.memory_space<vmem>>
          %dma_wait3A_511 = arith.constant 0 : i32
          %dma_wait3A_512 = arith.constant 0 : i32
          %dma_wait3A_513 = tpu.memref_slice %arg8[%dma_wait3A_511, %dma_wait3A_512] : memref<50016x32xf32, #tpu.memory_space<vmem_shared>> -> memref<50016x32xf32, #tpu.memory_space<vmem_shared>>
          tpu.wait_indirect_dma semaphore(%arg25 : memref<!tpu.dma_semaphore, #tpu.memory_space<semaphore_mem>>) src(%arg10 : memref<128x32xf32, #tpu.memory_space<vmem>>) dst(%dma_wait3A_513 : memref<50016x32xf32, #tpu.memory_space<vmem_shared>>)
          %dma_wait3A_514 = arith.constant 0 : i32
          %dma_wait3A_515 = arith.constant 0 : i32
          %dma_wait3A_516 = tpu.memref_slice %arg19[%dma_wait3A_514, %dma_wait3A_515] : memref<1x128xi32, #tpu.memory_space<vmem>> -> memref<1x128xi32, #tpu.memory_space<vmem>>
          %dma_wait3A_517 = tpu.memref_squeeze %dma_wait3A_516 : memref<1x128xi32, #tpu.memory_space<vmem>> -> memref<128xi32, #tpu.memory_space<vmem>>
          %dma_wait3A_518 = arith.constant 0 : i32
          %dma_wait3A_519 = arith.constant 0 : i32
          %dma_wait3A_520 = tpu.memref_slice %arg8[%dma_wait3A_518, %dma_wait3A_519] : memref<50016x32xf32, #tpu.memory_space<vmem_shared>> -> memref<50016x32xf32, #tpu.memory_space<vmem_shared>>
          tpu.wait_indirect_dma semaphore(%arg25 : memref<!tpu.dma_semaphore, #tpu.memory_space<semaphore_mem>>) src(%arg13 : memref<128x32xf32, #tpu.memory_space<vmem>>) dst(%dma_wait3A_520 : memref<50016x32xf32, #tpu.memory_space<vmem_shared>>)
        } else {
        }
        %add3A_101 = arith.constant 1 : i32
        %add3A_102 = arith.addi %add3A_73, %add3A_101 : i32
        %lt3A_103 = arith.constant 800 : i32
        %lt3A_104 = arith.cmpi slt, %add3A_102, %lt3A_103 : i32
        %convert_element_type3A_105 = arith.extui %lt3A_104 : i1 to i32
        %cond3A_106 = arith.constant 0 : i32
        %cond3A_107 = arith.cmpi ne, %convert_element_type3A_105, %cond3A_106 : i32
        scf.if %cond3A_107 {
          %add3A_507 = arith.constant 1 : i32
          %add3A_508 = arith.addi %add3A_73, %add3A_507 : i32
          %mul3A_509 = arith.constant 102400 : i32
          %mul3A_510 = arith.muli %arg1, %mul3A_509 : i32
          %mul3A_511 = arith.constant 128 : i32
          %mul3A_512 = arith.muli %add3A_508, %mul3A_511 : i32
          %add3A_513 = arith.addi %mul3A_510, %mul3A_512 : i32
          %mul3A_514 = arith.constant 800 : i32
          %mul3A_515 = arith.muli %arg1, %mul3A_514 : i32
          %add3A_516 = arith.addi %mul3A_515, %add3A_508 : i32
          %dma_start3A_517 = arith.constant 0 : i32
          %dma_start3A_518 = tpu.memref_slice %arg2[%add3A_513, %dma_start3A_517] : memref<1638400x32xf32, #tpu.memory_space<hbm>> -> memref<128x32xf32, #tpu.memory_space<hbm>>
          %dma_start3A_519 = arith.constant 0 : i32
          %dma_start3A_520 = tpu.memref_slice %arg2[%add3A_513, %dma_start3A_519] : memref<1638400x32xf32, #tpu.memory_space<hbm>> -> memref<128x32xf32, #tpu.memory_space<hbm>>
          tpu.enqueue_dma source(%dma_start3A_520 : memref<128x32xf32, #tpu.memory_space<hbm>>) target(%arg10 : memref<128x32xf32, #tpu.memory_space<vmem>>) target_semaphore(%arg22 : memref<!tpu.dma_semaphore, #tpu.memory_space<semaphore_mem>>)
          %dma_start3A_521 = arith.constant 0 : i32
          %dma_start3A_522 = tpu.memref_slice %arg3[%add3A_513, %dma_start3A_521] : memref<1638400x32xf32, #tpu.memory_space<hbm>> -> memref<128x32xf32, #tpu.memory_space<hbm>>
          %dma_start3A_523 = arith.constant 0 : i32
          %dma_start3A_524 = tpu.memref_slice %arg3[%add3A_513, %dma_start3A_523] : memref<1638400x32xf32, #tpu.memory_space<hbm>> -> memref<128x32xf32, #tpu.memory_space<hbm>>
          tpu.enqueue_dma source(%dma_start3A_524 : memref<128x32xf32, #tpu.memory_space<hbm>>) target(%arg13 : memref<128x32xf32, #tpu.memory_space<vmem>>) target_semaphore(%arg22 : memref<!tpu.dma_semaphore, #tpu.memory_space<semaphore_mem>>)
          %dma_start3A_525 = arith.constant 0 : i32
          %dma_start3A_526 = tpu.memref_slice %arg4[%add3A_516, %dma_start3A_525] : memref<12800x128xi32, #tpu.memory_space<hbm>> -> memref<1x128xi32, #tpu.memory_space<hbm>>
          %dma_start3A_527 = arith.constant 0 : i32
          %dma_start3A_528 = tpu.memref_slice %arg4[%add3A_516, %dma_start3A_527] : memref<12800x128xi32, #tpu.memory_space<hbm>> -> memref<1x128xi32, #tpu.memory_space<hbm>>
          tpu.enqueue_dma source(%dma_start3A_528 : memref<1x128xi32, #tpu.memory_space<hbm>>) target(%arg16 : memref<1x128xi32, #tpu.memory_space<vmem>>) target_semaphore(%arg22 : memref<!tpu.dma_semaphore, #tpu.memory_space<semaphore_mem>>)
          %dma_start3A_529 = arith.constant 0 : i32
          %dma_start3A_530 = tpu.memref_slice %arg5[%add3A_516, %dma_start3A_529] : memref<12800x128xi32, #tpu.memory_space<hbm>> -> memref<1x128xi32, #tpu.memory_space<hbm>>
          %dma_start3A_531 = arith.constant 0 : i32
          %dma_start3A_532 = tpu.memref_slice %arg5[%add3A_516, %dma_start3A_531] : memref<12800x128xi32, #tpu.memory_space<hbm>> -> memref<1x128xi32, #tpu.memory_space<hbm>>
          tpu.enqueue_dma source(%dma_start3A_532 : memref<1x128xi32, #tpu.memory_space<hbm>>) target(%arg19 : memref<1x128xi32, #tpu.memory_space<vmem>>) target_semaphore(%arg22 : memref<!tpu.dma_semaphore, #tpu.memory_space<semaphore_mem>>)
        } else {
        }
        %mul3A_108 = arith.constant 102400 : i32
        %mul3A_109 = arith.muli %arg1, %mul3A_108 : i32
        %mul3A_110 = arith.constant 128 : i32
        %mul3A_111 = arith.muli %add3A_73, %mul3A_110 : i32
        %add3A_112 = arith.addi %mul3A_109, %mul3A_111 : i32
        %mul3A_113 = arith.constant 800 : i32
        %mul3A_114 = arith.muli %arg1, %mul3A_113 : i32
        %add3A_115 = arith.addi %mul3A_114, %add3A_73 : i32
        %dma_wait3A_116 = arith.constant 0 : i32
        %dma_wait3A_117 = tpu.memref_slice %arg2[%add3A_112, %dma_wait3A_116] : memref<1638400x32xf32, #tpu.memory_space<hbm>> -> memref<128x32xf32, #tpu.memory_space<hbm>>
        %dma_wait3A_118 = arith.constant 0 : i32
        %dma_wait3A_119 = tpu.memref_slice %arg2[%add3A_112, %dma_wait3A_118] : memref<1638400x32xf32, #tpu.memory_space<hbm>> -> memref<128x32xf32, #tpu.memory_space<hbm>>
        tpu.wait_dma2 semaphore(%arg21 : memref<!tpu.dma_semaphore, #tpu.memory_space<semaphore_mem>>) src(%dma_wait3A_119 : memref<128x32xf32, #tpu.memory_space<hbm>>) dst(%arg9 : memref<128x32xf32, #tpu.memory_space<vmem>>)
        %dma_wait3A_120 = arith.constant 0 : i32
        %dma_wait3A_121 = tpu.memref_slice %arg3[%add3A_112, %dma_wait3A_120] : memref<1638400x32xf32, #tpu.memory_space<hbm>> -> memref<128x32xf32, #tpu.memory_space<hbm>>
        %dma_wait3A_122 = arith.constant 0 : i32
        %dma_wait3A_123 = tpu.memref_slice %arg3[%add3A_112, %dma_wait3A_122] : memref<1638400x32xf32, #tpu.memory_space<hbm>> -> memref<128x32xf32, #tpu.memory_space<hbm>>
        tpu.wait_dma2 semaphore(%arg21 : memref<!tpu.dma_semaphore, #tpu.memory_space<semaphore_mem>>) src(%dma_wait3A_123 : memref<128x32xf32, #tpu.memory_space<hbm>>) dst(%arg12 : memref<128x32xf32, #tpu.memory_space<vmem>>)
        %dma_wait3A_124 = arith.constant 0 : i32
        %dma_wait3A_125 = tpu.memref_slice %arg4[%add3A_115, %dma_wait3A_124] : memref<12800x128xi32, #tpu.memory_space<hbm>> -> memref<1x128xi32, #tpu.memory_space<hbm>>
        %dma_wait3A_126 = arith.constant 0 : i32
        %dma_wait3A_127 = tpu.memref_slice %arg4[%add3A_115, %dma_wait3A_126] : memref<12800x128xi32, #tpu.memory_space<hbm>> -> memref<1x128xi32, #tpu.memory_space<hbm>>
        tpu.wait_dma2 semaphore(%arg21 : memref<!tpu.dma_semaphore, #tpu.memory_space<semaphore_mem>>) src(%dma_wait3A_127 : memref<1x128xi32, #tpu.memory_space<hbm>>) dst(%arg15 : memref<1x128xi32, #tpu.memory_space<vmem>>)
        %dma_wait3A_128 = arith.constant 0 : i32
        %dma_wait3A_129 = tpu.memref_slice %arg5[%add3A_115, %dma_wait3A_128] : memref<12800x128xi32, #tpu.memory_space<hbm>> -> memref<1x128xi32, #tpu.memory_space<hbm>>
        %dma_wait3A_130 = arith.constant 0 : i32
        %dma_wait3A_131 = tpu.memref_slice %arg5[%add3A_115, %dma_wait3A_130] : memref<12800x128xi32, #tpu.memory_space<hbm>> -> memref<1x128xi32, #tpu.memory_space<hbm>>
        tpu.wait_dma2 semaphore(%arg21 : memref<!tpu.dma_semaphore, #tpu.memory_space<semaphore_mem>>) src(%dma_wait3A_131 : memref<1x128xi32, #tpu.memory_space<hbm>>) dst(%arg18 : memref<1x128xi32, #tpu.memory_space<vmem>>)
        %get3A = arith.constant 0 : i32
        %get3A_132 = arith.index_cast %get3A : i32 to index
        %get3A_133 = arith.constant 0 : index
        %get3A_134 = tpu.vector_load %arg15[%get3A_132, %get3A_133] {strides = array<i32>} : memref<1x128xi32, #tpu.memory_space<vmem>>, vector<1x16xi32>,
        %get3A_135 = vector.shape_cast %get3A_134 : vector<1x16xi32> to vector<16xi32>
        %sub3A = vector.broadcast %mul3A_2 : i32 to vector<16xi32>
        %sub3A_136 = arith.subi %get3A_135, %sub3A : vector<16xi32>
        %ge3A_137 = arith.constant 0 : i32
        %ge3A_138 = vector.broadcast %ge3A_137 : i32 to vector<16xi32>
        %ge3A_139 = arith.cmpi sge, %sub3A_136, %ge3A_138 : vector<16xi32>
        %lt3A_140 = arith.constant 50000 : i32
        %lt3A_141 = vector.broadcast %lt3A_140 : i32 to vector<16xi32>
        %lt3A_142 = arith.cmpi slt, %sub3A_136, %lt3A_141 : vector<16xi32>
        %and3A = arith.andi %ge3A_139, %lt3A_142 : vector<16xi1>
        %jit3A = arith.constant 50000 : i32
        %broadcast_in_dim3A = vector.broadcast %jit3A : i32 to vector<16xi32>
        %select_n3A = arith.select %and3A, %sub3A_136, %broadcast_in_dim3A : vector<16xi1>, vector<16xi32>
        %swap3A = arith.constant 0 : i32
        %swap3A_143 = arith.index_cast %swap3A : i32 to index
        %swap3A_144 = arith.constant 0 : index
        %swap3A_145 = tpu.vector_load %arg15[%swap3A_143, %swap3A_144] {strides = array<i32>} : memref<1x128xi32, #tpu.memory_space<vmem>>, vector<1x16xi32>,
        %swap3A_146 = vector.shape_cast %swap3A_145 : vector<1x16xi32> to vector<16xi32>
        %swap3A_147 = vector.shape_cast %select_n3A : vector<16xi32> to vector<1x16xi32>
        tpu.vector_store %arg15[%swap3A_143, %swap3A_144], %swap3A_147 {strides = array<i32>} : memref<1x128xi32, #tpu.memory_space<vmem>>, vector<1x16xi32>,
        %get3A_148 = arith.constant 0 : i32
        %get3A_149 = arith.index_cast %get3A_148 : i32 to index
        %get3A_150 = arith.constant 0 : index
        %get3A_151 = tpu.vector_load %arg18[%get3A_149, %get3A_150] {strides = array<i32>} : memref<1x128xi32, #tpu.memory_space<vmem>>, vector<1x16xi32>,
        %get3A_152 = vector.shape_cast %get3A_151 : vector<1x16xi32> to vector<16xi32>
        %sub3A_153 = vector.broadcast %mul3A_2 : i32 to vector<16xi32>
        %sub3A_154 = arith.subi %get3A_152, %sub3A_153 : vector<16xi32>
        %ge3A_155 = arith.constant 0 : i32
        %ge3A_156 = vector.broadcast %ge3A_155 : i32 to vector<16xi32>
        %ge3A_157 = arith.cmpi sge, %sub3A_154, %ge3A_156 : vector<16xi32>
        %lt3A_158 = arith.constant 50000 : i32
        %lt3A_159 = vector.broadcast %lt3A_158 : i32 to vector<16xi32>
        %lt3A_160 = arith.cmpi slt, %sub3A_154, %lt3A_159 : vector<16xi32>
        %and3A_161 = arith.andi %ge3A_157, %lt3A_160 : vector<16xi1>
        %jit3A_162 = arith.constant 50000 : i32
        %broadcast_in_dim3A_163 = vector.broadcast %jit3A_162 : i32 to vector<16xi32>
        %select_n3A_164 = arith.select %and3A_161, %sub3A_154, %broadcast_in_dim3A_163 : vector<16xi1>, vector<16xi32>
        %swap3A_165 = arith.constant 0 : i32
        %swap3A_166 = arith.index_cast %swap3A_165 : i32 to index
        %swap3A_167 = arith.constant 0 : index
        %swap3A_168 = tpu.vector_load %arg18[%swap3A_166, %swap3A_167] {strides = array<i32>} : memref<1x128xi32, #tpu.memory_space<vmem>>, vector<1x16xi32>,
        %swap3A_169 = vector.shape_cast %swap3A_168 : vector<1x16xi32> to vector<16xi32>
        %swap3A_170 = vector.shape_cast %select_n3A_164 : vector<16xi32> to vector<1x16xi32>
        tpu.vector_store %arg18[%swap3A_166, %swap3A_167], %swap3A_170 {strides = array<i32>} : memref<1x128xi32, #tpu.memory_space<vmem>>, vector<1x16xi32>,
        %get3A_171 = arith.constant 0 : i32
        %get3A_172 = arith.index_cast %get3A_171 : i32 to index
        %get3A_173 = arith.constant 16 : index
        %get3A_174 = tpu.vector_load %arg15[%get3A_172, %get3A_173] {strides = array<i32>} : memref<1x128xi32, #tpu.memory_space<vmem>>, vector<1x16xi32>,
        %get3A_175 = vector.shape_cast %get3A_174 : vector<1x16xi32> to vector<16xi32>
        %sub3A_176 = vector.broadcast %mul3A_2 : i32 to vector<16xi32>
        %sub3A_177 = arith.subi %get3A_175, %sub3A_176 : vector<16xi32>
        %ge3A_178 = arith.constant 0 : i32
        %ge3A_179 = vector.broadcast %ge3A_178 : i32 to vector<16xi32>
        %ge3A_180 = arith.cmpi sge, %sub3A_177, %ge3A_179 : vector<16xi32>
        %lt3A_181 = arith.constant 50000 : i32
        %lt3A_182 = vector.broadcast %lt3A_181 : i32 to vector<16xi32>
        %lt3A_183 = arith.cmpi slt, %sub3A_177, %lt3A_182 : vector<16xi32>
        %and3A_184 = arith.andi %ge3A_180, %lt3A_183 : vector<16xi1>
        %jit3A_185 = arith.constant 50000 : i32
        %broadcast_in_dim3A_186 = vector.broadcast %jit3A_185 : i32 to vector<16xi32>
        %select_n3A_187 = arith.select %and3A_184, %sub3A_177, %broadcast_in_dim3A_186 : vector<16xi1>, vector<16xi32>
        %swap3A_188 = arith.constant 0 : i32
        %swap3A_189 = arith.index_cast %swap3A_188 : i32 to index
        %swap3A_190 = arith.constant 16 : index
        %swap3A_191 = tpu.vector_load %arg15[%swap3A_189, %swap3A_190] {strides = array<i32>} : memref<1x128xi32, #tpu.memory_space<vmem>>, vector<1x16xi32>,
        %swap3A_192 = vector.shape_cast %swap3A_191 : vector<1x16xi32> to vector<16xi32>
        %swap3A_193 = vector.shape_cast %select_n3A_187 : vector<16xi32> to vector<1x16xi32>
        tpu.vector_store %arg15[%swap3A_189, %swap3A_190], %swap3A_193 {strides = array<i32>} : memref<1x128xi32, #tpu.memory_space<vmem>>, vector<1x16xi32>,
        %get3A_194 = arith.constant 0 : i32
        %get3A_195 = arith.index_cast %get3A_194 : i32 to index
        %get3A_196 = arith.constant 16 : index
        %get3A_197 = tpu.vector_load %arg18[%get3A_195, %get3A_196] {strides = array<i32>} : memref<1x128xi32, #tpu.memory_space<vmem>>, vector<1x16xi32>,
        %get3A_198 = vector.shape_cast %get3A_197 : vector<1x16xi32> to vector<16xi32>
        %sub3A_199 = vector.broadcast %mul3A_2 : i32 to vector<16xi32>
        %sub3A_200 = arith.subi %get3A_198, %sub3A_199 : vector<16xi32>
        %ge3A_201 = arith.constant 0 : i32
        %ge3A_202 = vector.broadcast %ge3A_201 : i32 to vector<16xi32>
        %ge3A_203 = arith.cmpi sge, %sub3A_200, %ge3A_202 : vector<16xi32>
        %lt3A_204 = arith.constant 50000 : i32
        %lt3A_205 = vector.broadcast %lt3A_204 : i32 to vector<16xi32>
        %lt3A_206 = arith.cmpi slt, %sub3A_200, %lt3A_205 : vector<16xi32>
        %and3A_207 = arith.andi %ge3A_203, %lt3A_206 : vector<16xi1>
        %jit3A_208 = arith.constant 50000 : i32
        %broadcast_in_dim3A_209 = vector.broadcast %jit3A_208 : i32 to vector<16xi32>
        %select_n3A_210 = arith.select %and3A_207, %sub3A_200, %broadcast_in_dim3A_209 : vector<16xi1>, vector<16xi32>
        %swap3A_211 = arith.constant 0 : i32
        %swap3A_212 = arith.index_cast %swap3A_211 : i32 to index
        %swap3A_213 = arith.constant 16 : index
        %swap3A_214 = tpu.vector_load %arg18[%swap3A_212, %swap3A_213] {strides = array<i32>} : memref<1x128xi32, #tpu.memory_space<vmem>>, vector<1x16xi32>,
        %swap3A_215 = vector.shape_cast %swap3A_214 : vector<1x16xi32> to vector<16xi32>
        %swap3A_216 = vector.shape_cast %select_n3A_210 : vector<16xi32> to vector<1x16xi32>
        tpu.vector_store %arg18[%swap3A_212, %swap3A_213], %swap3A_216 {strides = array<i32>} : memref<1x128xi32, #tpu.memory_space<vmem>>, vector<1x16xi32>,
        %get3A_217 = arith.constant 0 : i32
        %get3A_218 = arith.index_cast %get3A_217 : i32 to index
        %get3A_219 = arith.constant 32 : index
        %get3A_220 = tpu.vector_load %arg15[%get3A_218, %get3A_219] {strides = array<i32>} : memref<1x128xi32, #tpu.memory_space<vmem>>, vector<1x16xi32>,
        %get3A_221 = vector.shape_cast %get3A_220 : vector<1x16xi32> to vector<16xi32>
        %sub3A_222 = vector.broadcast %mul3A_2 : i32 to vector<16xi32>
        %sub3A_223 = arith.subi %get3A_221, %sub3A_222 : vector<16xi32>
        %ge3A_224 = arith.constant 0 : i32
        %ge3A_225 = vector.broadcast %ge3A_224 : i32 to vector<16xi32>
        %ge3A_226 = arith.cmpi sge, %sub3A_223, %ge3A_225 : vector<16xi32>
        %lt3A_227 = arith.constant 50000 : i32
        %lt3A_228 = vector.broadcast %lt3A_227 : i32 to vector<16xi32>
        %lt3A_229 = arith.cmpi slt, %sub3A_223, %lt3A_228 : vector<16xi32>
        %and3A_230 = arith.andi %ge3A_226, %lt3A_229 : vector<16xi1>
        %jit3A_231 = arith.constant 50000 : i32
        %broadcast_in_dim3A_232 = vector.broadcast %jit3A_231 : i32 to vector<16xi32>
        %select_n3A_233 = arith.select %and3A_230, %sub3A_223, %broadcast_in_dim3A_232 : vector<16xi1>, vector<16xi32>
        %swap3A_234 = arith.constant 0 : i32
        %swap3A_235 = arith.index_cast %swap3A_234 : i32 to index
        %swap3A_236 = arith.constant 32 : index
        %swap3A_237 = tpu.vector_load %arg15[%swap3A_235, %swap3A_236] {strides = array<i32>} : memref<1x128xi32, #tpu.memory_space<vmem>>, vector<1x16xi32>,
        %swap3A_238 = vector.shape_cast %swap3A_237 : vector<1x16xi32> to vector<16xi32>
        %swap3A_239 = vector.shape_cast %select_n3A_233 : vector<16xi32> to vector<1x16xi32>
        tpu.vector_store %arg15[%swap3A_235, %swap3A_236], %swap3A_239 {strides = array<i32>} : memref<1x128xi32, #tpu.memory_space<vmem>>, vector<1x16xi32>,
        %get3A_240 = arith.constant 0 : i32
        %get3A_241 = arith.index_cast %get3A_240 : i32 to index
        %get3A_242 = arith.constant 32 : index
        %get3A_243 = tpu.vector_load %arg18[%get3A_241, %get3A_242] {strides = array<i32>} : memref<1x128xi32, #tpu.memory_space<vmem>>, vector<1x16xi32>,
        %get3A_244 = vector.shape_cast %get3A_243 : vector<1x16xi32> to vector<16xi32>
        %sub3A_245 = vector.broadcast %mul3A_2 : i32 to vector<16xi32>
        %sub3A_246 = arith.subi %get3A_244, %sub3A_245 : vector<16xi32>
        %ge3A_247 = arith.constant 0 : i32
        %ge3A_248 = vector.broadcast %ge3A_247 : i32 to vector<16xi32>
        %ge3A_249 = arith.cmpi sge, %sub3A_246, %ge3A_248 : vector<16xi32>
        %lt3A_250 = arith.constant 50000 : i32
        %lt3A_251 = vector.broadcast %lt3A_250 : i32 to vector<16xi32>
        %lt3A_252 = arith.cmpi slt, %sub3A_246, %lt3A_251 : vector<16xi32>
        %and3A_253 = arith.andi %ge3A_249, %lt3A_252 : vector<16xi1>
        %jit3A_254 = arith.constant 50000 : i32
        %broadcast_in_dim3A_255 = vector.broadcast %jit3A_254 : i32 to vector<16xi32>
        %select_n3A_256 = arith.select %and3A_253, %sub3A_246, %broadcast_in_dim3A_255 : vector<16xi1>, vector<16xi32>
        %swap3A_257 = arith.constant 0 : i32
        %swap3A_258 = arith.index_cast %swap3A_257 : i32 to index
        %swap3A_259 = arith.constant 32 : index
        %swap3A_260 = tpu.vector_load %arg18[%swap3A_258, %swap3A_259] {strides = array<i32>} : memref<1x128xi32, #tpu.memory_space<vmem>>, vector<1x16xi32>,
        %swap3A_261 = vector.shape_cast %swap3A_260 : vector<1x16xi32> to vector<16xi32>
        %swap3A_262 = vector.shape_cast %select_n3A_256 : vector<16xi32> to vector<1x16xi32>
        tpu.vector_store %arg18[%swap3A_258, %swap3A_259], %swap3A_262 {strides = array<i32>} : memref<1x128xi32, #tpu.memory_space<vmem>>, vector<1x16xi32>,
        %get3A_263 = arith.constant 0 : i32
        %get3A_264 = arith.index_cast %get3A_263 : i32 to index
        %get3A_265 = arith.constant 48 : index
        %get3A_266 = tpu.vector_load %arg15[%get3A_264, %get3A_265] {strides = array<i32>} : memref<1x128xi32, #tpu.memory_space<vmem>>, vector<1x16xi32>,
        %get3A_267 = vector.shape_cast %get3A_266 : vector<1x16xi32> to vector<16xi32>
        %sub3A_268 = vector.broadcast %mul3A_2 : i32 to vector<16xi32>
        %sub3A_269 = arith.subi %get3A_267, %sub3A_268 : vector<16xi32>
        %ge3A_270 = arith.constant 0 : i32
        %ge3A_271 = vector.broadcast %ge3A_270 : i32 to vector<16xi32>
        %ge3A_272 = arith.cmpi sge, %sub3A_269, %ge3A_271 : vector<16xi32>
        %lt3A_273 = arith.constant 50000 : i32
        %lt3A_274 = vector.broadcast %lt3A_273 : i32 to vector<16xi32>
        %lt3A_275 = arith.cmpi slt, %sub3A_269, %lt3A_274 : vector<16xi32>
        %and3A_276 = arith.andi %ge3A_272, %lt3A_275 : vector<16xi1>
        %jit3A_277 = arith.constant 50000 : i32
        %broadcast_in_dim3A_278 = vector.broadcast %jit3A_277 : i32 to vector<16xi32>
        %select_n3A_279 = arith.select %and3A_276, %sub3A_269, %broadcast_in_dim3A_278 : vector<16xi1>, vector<16xi32>
        %swap3A_280 = arith.constant 0 : i32
        %swap3A_281 = arith.index_cast %swap3A_280 : i32 to index
        %swap3A_282 = arith.constant 48 : index
        %swap3A_283 = tpu.vector_load %arg15[%swap3A_281, %swap3A_282] {strides = array<i32>} : memref<1x128xi32, #tpu.memory_space<vmem>>, vector<1x16xi32>,
        %swap3A_284 = vector.shape_cast %swap3A_283 : vector<1x16xi32> to vector<16xi32>
        %swap3A_285 = vector.shape_cast %select_n3A_279 : vector<16xi32> to vector<1x16xi32>
        tpu.vector_store %arg15[%swap3A_281, %swap3A_282], %swap3A_285 {strides = array<i32>} : memref<1x128xi32, #tpu.memory_space<vmem>>, vector<1x16xi32>,
        %get3A_286 = arith.constant 0 : i32
        %get3A_287 = arith.index_cast %get3A_286 : i32 to index
        %get3A_288 = arith.constant 48 : index
        %get3A_289 = tpu.vector_load %arg18[%get3A_287, %get3A_288] {strides = array<i32>} : memref<1x128xi32, #tpu.memory_space<vmem>>, vector<1x16xi32>,
        %get3A_290 = vector.shape_cast %get3A_289 : vector<1x16xi32> to vector<16xi32>
        %sub3A_291 = vector.broadcast %mul3A_2 : i32 to vector<16xi32>
        %sub3A_292 = arith.subi %get3A_290, %sub3A_291 : vector<16xi32>
        %ge3A_293 = arith.constant 0 : i32
        %ge3A_294 = vector.broadcast %ge3A_293 : i32 to vector<16xi32>
        %ge3A_295 = arith.cmpi sge, %sub3A_292, %ge3A_294 : vector<16xi32>
        %lt3A_296 = arith.constant 50000 : i32
        %lt3A_297 = vector.broadcast %lt3A_296 : i32 to vector<16xi32>
        %lt3A_298 = arith.cmpi slt, %sub3A_292, %lt3A_297 : vector<16xi32>
        %and3A_299 = arith.andi %ge3A_295, %lt3A_298 : vector<16xi1>
        %jit3A_300 = arith.constant 50000 : i32
        %broadcast_in_dim3A_301 = vector.broadcast %jit3A_300 : i32 to vector<16xi32>
        %select_n3A_302 = arith.select %and3A_299, %sub3A_292, %broadcast_in_dim3A_301 : vector<16xi1>, vector<16xi32>
        %swap3A_303 = arith.constant 0 : i32
        %swap3A_304 = arith.index_cast %swap3A_303 : i32 to index
        %swap3A_305 = arith.constant 48 : index
        %swap3A_306 = tpu.vector_load %arg18[%swap3A_304, %swap3A_305] {strides = array<i32>} : memref<1x128xi32, #tpu.memory_space<vmem>>, vector<1x16xi32>,
        %swap3A_307 = vector.shape_cast %swap3A_306 : vector<1x16xi32> to vector<16xi32>
        %swap3A_308 = vector.shape_cast %select_n3A_302 : vector<16xi32> to vector<1x16xi32>
        tpu.vector_store %arg18[%swap3A_304, %swap3A_305], %swap3A_308 {strides = array<i32>} : memref<1x128xi32, #tpu.memory_space<vmem>>, vector<1x16xi32>,
        %get3A_309 = arith.constant 0 : i32
        %get3A_310 = arith.index_cast %get3A_309 : i32 to index
        %get3A_311 = arith.constant 64 : index
        %get3A_312 = tpu.vector_load %arg15[%get3A_310, %get3A_311] {strides = array<i32>} : memref<1x128xi32, #tpu.memory_space<vmem>>, vector<1x16xi32>,
        %get3A_313 = vector.shape_cast %get3A_312 : vector<1x16xi32> to vector<16xi32>
        %sub3A_314 = vector.broadcast %mul3A_2 : i32 to vector<16xi32>
        %sub3A_315 = arith.subi %get3A_313, %sub3A_314 : vector<16xi32>
        %ge3A_316 = arith.constant 0 : i32
        %ge3A_317 = vector.broadcast %ge3A_316 : i32 to vector<16xi32>
        %ge3A_318 = arith.cmpi sge, %sub3A_315, %ge3A_317 : vector<16xi32>
        %lt3A_319 = arith.constant 50000 : i32
        %lt3A_320 = vector.broadcast %lt3A_319 : i32 to vector<16xi32>
        %lt3A_321 = arith.cmpi slt, %sub3A_315, %lt3A_320 : vector<16xi32>
        %and3A_322 = arith.andi %ge3A_318, %lt3A_321 : vector<16xi1>
        %jit3A_323 = arith.constant 50000 : i32
        %broadcast_in_dim3A_324 = vector.broadcast %jit3A_323 : i32 to vector<16xi32>
        %select_n3A_325 = arith.select %and3A_322, %sub3A_315, %broadcast_in_dim3A_324 : vector<16xi1>, vector<16xi32>
        %swap3A_326 = arith.constant 0 : i32
        %swap3A_327 = arith.index_cast %swap3A_326 : i32 to index
        %swap3A_328 = arith.constant 64 : index
        %swap3A_329 = tpu.vector_load %arg15[%swap3A_327, %swap3A_328] {strides = array<i32>} : memref<1x128xi32, #tpu.memory_space<vmem>>, vector<1x16xi32>,
        %swap3A_330 = vector.shape_cast %swap3A_329 : vector<1x16xi32> to vector<16xi32>
        %swap3A_331 = vector.shape_cast %select_n3A_325 : vector<16xi32> to vector<1x16xi32>
        tpu.vector_store %arg15[%swap3A_327, %swap3A_328], %swap3A_331 {strides = array<i32>} : memref<1x128xi32, #tpu.memory_space<vmem>>, vector<1x16xi32>,
        %get3A_332 = arith.constant 0 : i32
        %get3A_333 = arith.index_cast %get3A_332 : i32 to index
        %get3A_334 = arith.constant 64 : index
        %get3A_335 = tpu.vector_load %arg18[%get3A_333, %get3A_334] {strides = array<i32>} : memref<1x128xi32, #tpu.memory_space<vmem>>, vector<1x16xi32>,
        %get3A_336 = vector.shape_cast %get3A_335 : vector<1x16xi32> to vector<16xi32>
        %sub3A_337 = vector.broadcast %mul3A_2 : i32 to vector<16xi32>
        %sub3A_338 = arith.subi %get3A_336, %sub3A_337 : vector<16xi32>
        %ge3A_339 = arith.constant 0 : i32
        %ge3A_340 = vector.broadcast %ge3A_339 : i32 to vector<16xi32>
        %ge3A_341 = arith.cmpi sge, %sub3A_338, %ge3A_340 : vector<16xi32>
        %lt3A_342 = arith.constant 50000 : i32
        %lt3A_343 = vector.broadcast %lt3A_342 : i32 to vector<16xi32>
        %lt3A_344 = arith.cmpi slt, %sub3A_338, %lt3A_343 : vector<16xi32>
        %and3A_345 = arith.andi %ge3A_341, %lt3A_344 : vector<16xi1>
        %jit3A_346 = arith.constant 50000 : i32
        %broadcast_in_dim3A_347 = vector.broadcast %jit3A_346 : i32 to vector<16xi32>
        %select_n3A_348 = arith.select %and3A_345, %sub3A_338, %broadcast_in_dim3A_347 : vector<16xi1>, vector<16xi32>
        %swap3A_349 = arith.constant 0 : i32
        %swap3A_350 = arith.index_cast %swap3A_349 : i32 to index
        %swap3A_351 = arith.constant 64 : index
        %swap3A_352 = tpu.vector_load %arg18[%swap3A_350, %swap3A_351] {strides = array<i32>} : memref<1x128xi32, #tpu.memory_space<vmem>>, vector<1x16xi32>,
        %swap3A_353 = vector.shape_cast %swap3A_352 : vector<1x16xi32> to vector<16xi32>
        %swap3A_354 = vector.shape_cast %select_n3A_348 : vector<16xi32> to vector<1x16xi32>
        tpu.vector_store %arg18[%swap3A_350, %swap3A_351], %swap3A_354 {strides = array<i32>} : memref<1x128xi32, #tpu.memory_space<vmem>>, vector<1x16xi32>,
        %get3A_355 = arith.constant 0 : i32
        %get3A_356 = arith.index_cast %get3A_355 : i32 to index
        %get3A_357 = arith.constant 80 : index
        %get3A_358 = tpu.vector_load %arg15[%get3A_356, %get3A_357] {strides = array<i32>} : memref<1x128xi32, #tpu.memory_space<vmem>>, vector<1x16xi32>,
        %get3A_359 = vector.shape_cast %get3A_358 : vector<1x16xi32> to vector<16xi32>
        %sub3A_360 = vector.broadcast %mul3A_2 : i32 to vector<16xi32>
        %sub3A_361 = arith.subi %get3A_359, %sub3A_360 : vector<16xi32>
        %ge3A_362 = arith.constant 0 : i32
        %ge3A_363 = vector.broadcast %ge3A_362 : i32 to vector<16xi32>
        %ge3A_364 = arith.cmpi sge, %sub3A_361, %ge3A_363 : vector<16xi32>
        %lt3A_365 = arith.constant 50000 : i32
        %lt3A_366 = vector.broadcast %lt3A_365 : i32 to vector<16xi32>
        %lt3A_367 = arith.cmpi slt, %sub3A_361, %lt3A_366 : vector<16xi32>
        %and3A_368 = arith.andi %ge3A_364, %lt3A_367 : vector<16xi1>
        %jit3A_369 = arith.constant 50000 : i32
        %broadcast_in_dim3A_370 = vector.broadcast %jit3A_369 : i32 to vector<16xi32>
        %select_n3A_371 = arith.select %and3A_368, %sub3A_361, %broadcast_in_dim3A_370 : vector<16xi1>, vector<16xi32>
        %swap3A_372 = arith.constant 0 : i32
        %swap3A_373 = arith.index_cast %swap3A_372 : i32 to index
        %swap3A_374 = arith.constant 80 : index
        %swap3A_375 = tpu.vector_load %arg15[%swap3A_373, %swap3A_374] {strides = array<i32>} : memref<1x128xi32, #tpu.memory_space<vmem>>, vector<1x16xi32>,
        %swap3A_376 = vector.shape_cast %swap3A_375 : vector<1x16xi32> to vector<16xi32>
        %swap3A_377 = vector.shape_cast %select_n3A_371 : vector<16xi32> to vector<1x16xi32>
        tpu.vector_store %arg15[%swap3A_373, %swap3A_374], %swap3A_377 {strides = array<i32>} : memref<1x128xi32, #tpu.memory_space<vmem>>, vector<1x16xi32>,
        %get3A_378 = arith.constant 0 : i32
        %get3A_379 = arith.index_cast %get3A_378 : i32 to index
        %get3A_380 = arith.constant 80 : index
        %get3A_381 = tpu.vector_load %arg18[%get3A_379, %get3A_380] {strides = array<i32>} : memref<1x128xi32, #tpu.memory_space<vmem>>, vector<1x16xi32>,
        %get3A_382 = vector.shape_cast %get3A_381 : vector<1x16xi32> to vector<16xi32>
        %sub3A_383 = vector.broadcast %mul3A_2 : i32 to vector<16xi32>
        %sub3A_384 = arith.subi %get3A_382, %sub3A_383 : vector<16xi32>
        %ge3A_385 = arith.constant 0 : i32
        %ge3A_386 = vector.broadcast %ge3A_385 : i32 to vector<16xi32>
        %ge3A_387 = arith.cmpi sge, %sub3A_384, %ge3A_386 : vector<16xi32>
        %lt3A_388 = arith.constant 50000 : i32
        %lt3A_389 = vector.broadcast %lt3A_388 : i32 to vector<16xi32>
        %lt3A_390 = arith.cmpi slt, %sub3A_384, %lt3A_389 : vector<16xi32>
        %and3A_391 = arith.andi %ge3A_387, %lt3A_390 : vector<16xi1>
        %jit3A_392 = arith.constant 50000 : i32
        %broadcast_in_dim3A_393 = vector.broadcast %jit3A_392 : i32 to vector<16xi32>
        %select_n3A_394 = arith.select %and3A_391, %sub3A_384, %broadcast_in_dim3A_393 : vector<16xi1>, vector<16xi32>
        %swap3A_395 = arith.constant 0 : i32
        %swap3A_396 = arith.index_cast %swap3A_395 : i32 to index
        %swap3A_397 = arith.constant 80 : index
        %swap3A_398 = tpu.vector_load %arg18[%swap3A_396, %swap3A_397] {strides = array<i32>} : memref<1x128xi32, #tpu.memory_space<vmem>>, vector<1x16xi32>,
        %swap3A_399 = vector.shape_cast %swap3A_398 : vector<1x16xi32> to vector<16xi32>
        %swap3A_400 = vector.shape_cast %select_n3A_394 : vector<16xi32> to vector<1x16xi32>
        tpu.vector_store %arg18[%swap3A_396, %swap3A_397], %swap3A_400 {strides = array<i32>} : memref<1x128xi32, #tpu.memory_space<vmem>>, vector<1x16xi32>,
        %get3A_401 = arith.constant 0 : i32
        %get3A_402 = arith.index_cast %get3A_401 : i32 to index
        %get3A_403 = arith.constant 96 : index
        %get3A_404 = tpu.vector_load %arg15[%get3A_402, %get3A_403] {strides = array<i32>} : memref<1x128xi32, #tpu.memory_space<vmem>>, vector<1x16xi32>,
        %get3A_405 = vector.shape_cast %get3A_404 : vector<1x16xi32> to vector<16xi32>
        %sub3A_406 = vector.broadcast %mul3A_2 : i32 to vector<16xi32>
        %sub3A_407 = arith.subi %get3A_405, %sub3A_406 : vector<16xi32>
        %ge3A_408 = arith.constant 0 : i32
        %ge3A_409 = vector.broadcast %ge3A_408 : i32 to vector<16xi32>
        %ge3A_410 = arith.cmpi sge, %sub3A_407, %ge3A_409 : vector<16xi32>
        %lt3A_411 = arith.constant 50000 : i32
        %lt3A_412 = vector.broadcast %lt3A_411 : i32 to vector<16xi32>
        %lt3A_413 = arith.cmpi slt, %sub3A_407, %lt3A_412 : vector<16xi32>
        %and3A_414 = arith.andi %ge3A_410, %lt3A_413 : vector<16xi1>
        %jit3A_415 = arith.constant 50000 : i32
        %broadcast_in_dim3A_416 = vector.broadcast %jit3A_415 : i32 to vector<16xi32>
        %select_n3A_417 = arith.select %and3A_414, %sub3A_407, %broadcast_in_dim3A_416 : vector<16xi1>, vector<16xi32>
        %swap3A_418 = arith.constant 0 : i32
        %swap3A_419 = arith.index_cast %swap3A_418 : i32 to index
        %swap3A_420 = arith.constant 96 : index
        %swap3A_421 = tpu.vector_load %arg15[%swap3A_419, %swap3A_420] {strides = array<i32>} : memref<1x128xi32, #tpu.memory_space<vmem>>, vector<1x16xi32>,
        %swap3A_422 = vector.shape_cast %swap3A_421 : vector<1x16xi32> to vector<16xi32>
        %swap3A_423 = vector.shape_cast %select_n3A_417 : vector<16xi32> to vector<1x16xi32>
        tpu.vector_store %arg15[%swap3A_419, %swap3A_420], %swap3A_423 {strides = array<i32>} : memref<1x128xi32, #tpu.memory_space<vmem>>, vector<1x16xi32>,
        %get3A_424 = arith.constant 0 : i32
        %get3A_425 = arith.index_cast %get3A_424 : i32 to index
        %get3A_426 = arith.constant 96 : index
        %get3A_427 = tpu.vector_load %arg18[%get3A_425, %get3A_426] {strides = array<i32>} : memref<1x128xi32, #tpu.memory_space<vmem>>, vector<1x16xi32>,
        %get3A_428 = vector.shape_cast %get3A_427 : vector<1x16xi32> to vector<16xi32>
        %sub3A_429 = vector.broadcast %mul3A_2 : i32 to vector<16xi32>
        %sub3A_430 = arith.subi %get3A_428, %sub3A_429 : vector<16xi32>
        %ge3A_431 = arith.constant 0 : i32
        %ge3A_432 = vector.broadcast %ge3A_431 : i32 to vector<16xi32>
        %ge3A_433 = arith.cmpi sge, %sub3A_430, %ge3A_432 : vector<16xi32>
        %lt3A_434 = arith.constant 50000 : i32
        %lt3A_435 = vector.broadcast %lt3A_434 : i32 to vector<16xi32>
        %lt3A_436 = arith.cmpi slt, %sub3A_430, %lt3A_435 : vector<16xi32>
        %and3A_437 = arith.andi %ge3A_433, %lt3A_436 : vector<16xi1>
        %jit3A_438 = arith.constant 50000 : i32
        %broadcast_in_dim3A_439 = vector.broadcast %jit3A_438 : i32 to vector<16xi32>
        %select_n3A_440 = arith.select %and3A_437, %sub3A_430, %broadcast_in_dim3A_439 : vector<16xi1>, vector<16xi32>
        %swap3A_441 = arith.constant 0 : i32
        %swap3A_442 = arith.index_cast %swap3A_441 : i32 to index
        %swap3A_443 = arith.constant 96 : index
        %swap3A_444 = tpu.vector_load %arg18[%swap3A_442, %swap3A_443] {strides = array<i32>} : memref<1x128xi32, #tpu.memory_space<vmem>>, vector<1x16xi32>,
        %swap3A_445 = vector.shape_cast %swap3A_444 : vector<1x16xi32> to vector<16xi32>
        %swap3A_446 = vector.shape_cast %select_n3A_440 : vector<16xi32> to vector<1x16xi32>
        tpu.vector_store %arg18[%swap3A_442, %swap3A_443], %swap3A_446 {strides = array<i32>} : memref<1x128xi32, #tpu.memory_space<vmem>>, vector<1x16xi32>,
        %get3A_447 = arith.constant 0 : i32
        %get3A_448 = arith.index_cast %get3A_447 : i32 to index
        %get3A_449 = arith.constant 112 : index
        %get3A_450 = tpu.vector_load %arg15[%get3A_448, %get3A_449] {strides = array<i32>} : memref<1x128xi32, #tpu.memory_space<vmem>>, vector<1x16xi32>,
        %get3A_451 = vector.shape_cast %get3A_450 : vector<1x16xi32> to vector<16xi32>
        %sub3A_452 = vector.broadcast %mul3A_2 : i32 to vector<16xi32>
        %sub3A_453 = arith.subi %get3A_451, %sub3A_452 : vector<16xi32>
        %ge3A_454 = arith.constant 0 : i32
        %ge3A_455 = vector.broadcast %ge3A_454 : i32 to vector<16xi32>
        %ge3A_456 = arith.cmpi sge, %sub3A_453, %ge3A_455 : vector<16xi32>
        %lt3A_457 = arith.constant 50000 : i32
        %lt3A_458 = vector.broadcast %lt3A_457 : i32 to vector<16xi32>
        %lt3A_459 = arith.cmpi slt, %sub3A_453, %lt3A_458 : vector<16xi32>
        %and3A_460 = arith.andi %ge3A_456, %lt3A_459 : vector<16xi1>
        %jit3A_461 = arith.constant 50000 : i32
        %broadcast_in_dim3A_462 = vector.broadcast %jit3A_461 : i32 to vector<16xi32>
        %select_n3A_463 = arith.select %and3A_460, %sub3A_453, %broadcast_in_dim3A_462 : vector<16xi1>, vector<16xi32>
        %swap3A_464 = arith.constant 0 : i32
        %swap3A_465 = arith.index_cast %swap3A_464 : i32 to index
        %swap3A_466 = arith.constant 112 : index
        %swap3A_467 = tpu.vector_load %arg15[%swap3A_465, %swap3A_466] {strides = array<i32>} : memref<1x128xi32, #tpu.memory_space<vmem>>, vector<1x16xi32>,
        %swap3A_468 = vector.shape_cast %swap3A_467 : vector<1x16xi32> to vector<16xi32>
        %swap3A_469 = vector.shape_cast %select_n3A_463 : vector<16xi32> to vector<1x16xi32>
        tpu.vector_store %arg15[%swap3A_465, %swap3A_466], %swap3A_469 {strides = array<i32>} : memref<1x128xi32, #tpu.memory_space<vmem>>, vector<1x16xi32>,
        %get3A_470 = arith.constant 0 : i32
        %get3A_471 = arith.index_cast %get3A_470 : i32 to index
        %get3A_472 = arith.constant 112 : index
        %get3A_473 = tpu.vector_load %arg18[%get3A_471, %get3A_472] {strides = array<i32>} : memref<1x128xi32, #tpu.memory_space<vmem>>, vector<1x16xi32>,
        %get3A_474 = vector.shape_cast %get3A_473 : vector<1x16xi32> to vector<16xi32>
        %sub3A_475 = vector.broadcast %mul3A_2 : i32 to vector<16xi32>
        %sub3A_476 = arith.subi %get3A_474, %sub3A_475 : vector<16xi32>
        %ge3A_477 = arith.constant 0 : i32
        %ge3A_478 = vector.broadcast %ge3A_477 : i32 to vector<16xi32>
        %ge3A_479 = arith.cmpi sge, %sub3A_476, %ge3A_478 : vector<16xi32>
        %lt3A_480 = arith.constant 50000 : i32
        %lt3A_481 = vector.broadcast %lt3A_480 : i32 to vector<16xi32>
        %lt3A_482 = arith.cmpi slt, %sub3A_476, %lt3A_481 : vector<16xi32>
        %and3A_483 = arith.andi %ge3A_479, %lt3A_482 : vector<16xi1>
        %jit3A_484 = arith.constant 50000 : i32
        %broadcast_in_dim3A_485 = vector.broadcast %jit3A_484 : i32 to vector<16xi32>
        %select_n3A_486 = arith.select %and3A_483, %sub3A_476, %broadcast_in_dim3A_485 : vector<16xi1>, vector<16xi32>
        %swap3A_487 = arith.constant 0 : i32
        %swap3A_488 = arith.index_cast %swap3A_487 : i32 to index
        %swap3A_489 = arith.constant 112 : index
        %swap3A_490 = tpu.vector_load %arg18[%swap3A_488, %swap3A_489] {strides = array<i32>} : memref<1x128xi32, #tpu.memory_space<vmem>>, vector<1x16xi32>,
        %swap3A_491 = vector.shape_cast %swap3A_490 : vector<1x16xi32> to vector<16xi32>
        %swap3A_492 = vector.shape_cast %select_n3A_486 : vector<16xi32> to vector<1x16xi32>
        tpu.vector_store %arg18[%swap3A_488, %swap3A_489], %swap3A_492 {strides = array<i32>} : memref<1x128xi32, #tpu.memory_space<vmem>>, vector<1x16xi32>,
        %dma_start3A_493 = arith.constant 0 : i32
        %dma_start3A_494 = arith.constant 0 : i32
        %dma_start3A_495 = tpu.memref_slice %arg15[%dma_start3A_493, %dma_start3A_494] : memref<1x128xi32, #tpu.memory_space<vmem>> -> memref<1x128xi32, #tpu.memory_space<vmem>>
        %dma_start3A_496 = tpu.memref_squeeze %dma_start3A_495 : memref<1x128xi32, #tpu.memory_space<vmem>> -> memref<128xi32, #tpu.memory_space<vmem>>
        %dma_start3A_497 = arith.constant 0 : i32
        %dma_start3A_498 = arith.constant 0 : i32
        %dma_start3A_499 = tpu.memref_slice %arg8[%dma_start3A_497, %dma_start3A_498] : memref<50016x32xf32, #tpu.memory_space<vmem_shared>> -> memref<50016x32xf32, #tpu.memory_space<vmem_shared>>
        tpu.enqueue_indirect_dma source(%arg9 : memref<128x32xf32, #tpu.memory_space<vmem>>) target(%dma_start3A_499 : memref<50016x32xf32, #tpu.memory_space<vmem_shared>>) offsets(%dma_start3A_496 : memref<128xi32, #tpu.memory_space<vmem>>) semaphore(%arg24 : memref<!tpu.dma_semaphore, #tpu.memory_space<semaphore_mem>>) {add = true}
        %dma_start3A_500 = arith.constant 0 : i32
        %dma_start3A_501 = arith.constant 0 : i32
        %dma_start3A_502 = tpu.memref_slice %arg18[%dma_start3A_500, %dma_start3A_501] : memref<1x128xi32, #tpu.memory_space<vmem>> -> memref<1x128xi32, #tpu.memory_space<vmem>>
        %dma_start3A_503 = tpu.memref_squeeze %dma_start3A_502 : memref<1x128xi32, #tpu.memory_space<vmem>> -> memref<128xi32, #tpu.memory_space<vmem>>
        %dma_start3A_504 = arith.constant 0 : i32
        %dma_start3A_505 = arith.constant 0 : i32
        %dma_start3A_506 = tpu.memref_slice %arg8[%dma_start3A_504, %dma_start3A_505] : memref<50016x32xf32, #tpu.memory_space<vmem_shared>> -> memref<50016x32xf32, #tpu.memory_space<vmem_shared>>
        tpu.enqueue_indirect_dma source(%arg12 : memref<128x32xf32, #tpu.memory_space<vmem>>) target(%dma_start3A_506 : memref<50016x32xf32, #tpu.memory_space<vmem_shared>>) offsets(%dma_start3A_503 : memref<128xi32, #tpu.memory_space<vmem>>) semaphore(%arg24 : memref<!tpu.dma_semaphore, #tpu.memory_space<semaphore_mem>>) {add = true}
      } else {
      }
      %mul3A_79 = arith.constant 3 : i32
      %mul3A_80 = arith.muli %mul3A_79, %scan3A_69 : i32
      %add3A_81 = arith.constant 1 : i32
      %add3A_82 = arith.addi %mul3A_80, %add3A_81 : i32
      %lt3A_83 = arith.constant 800 : i32
      %lt3A_84 = arith.cmpi slt, %add3A_82, %lt3A_83 : i32
      %convert_element_type3A_85 = arith.extui %lt3A_84 : i1 to i32
      %cond3A_86 = arith.constant 0 : i32
      %cond3A_87 = arith.cmpi ne, %convert_element_type3A_85, %cond3A_86 : i32
      scf.if %cond3A_87 {
        %ge3A = arith.constant 2 : i32
        %ge3A_97 = arith.cmpi sge, %add3A_82, %ge3A : i32
        %convert_element_type3A_98 = arith.extui %ge3A_97 : i1 to i32
        %cond3A_99 = arith.constant 0 : i32
        %cond3A_100 = arith.cmpi ne, %convert_element_type3A_98, %cond3A_99 : i32
        scf.if %cond3A_100 {
          %dma_wait3A_507 = arith.constant 0 : i32
          %dma_wait3A_508 = arith.constant 0 : i32
          %dma_wait3A_509 = tpu.memref_slice %arg17[%dma_wait3A_507, %dma_wait3A_508] : memref<1x128xi32, #tpu.memory_space<vmem>> -> memref<1x128xi32, #tpu.memory_space<vmem>>
          %dma_wait3A_510 = tpu.memref_squeeze %dma_wait3A_509 : memref<1x128xi32, #tpu.memory_space<vmem>> -> memref<128xi32, #tpu.memory_space<vmem>>
          %dma_wait3A_511 = arith.constant 0 : i32
          %dma_wait3A_512 = arith.constant 0 : i32
          %dma_wait3A_513 = tpu.memref_slice %arg8[%dma_wait3A_511, %dma_wait3A_512] : memref<50016x32xf32, #tpu.memory_space<vmem_shared>> -> memref<50016x32xf32, #tpu.memory_space<vmem_shared>>
          tpu.wait_indirect_dma semaphore(%arg26 : memref<!tpu.dma_semaphore, #tpu.memory_space<semaphore_mem>>) src(%arg11 : memref<128x32xf32, #tpu.memory_space<vmem>>) dst(%dma_wait3A_513 : memref<50016x32xf32, #tpu.memory_space<vmem_shared>>)
          %dma_wait3A_514 = arith.constant 0 : i32
          %dma_wait3A_515 = arith.constant 0 : i32
          %dma_wait3A_516 = tpu.memref_slice %arg20[%dma_wait3A_514, %dma_wait3A_515] : memref<1x128xi32, #tpu.memory_space<vmem>> -> memref<1x128xi32, #tpu.memory_space<vmem>>
          %dma_wait3A_517 = tpu.memref_squeeze %dma_wait3A_516 : memref<1x128xi32, #tpu.memory_space<vmem>> -> memref<128xi32, #tpu.memory_space<vmem>>
          %dma_wait3A_518 = arith.constant 0 : i32
          %dma_wait3A_519 = arith.constant 0 : i32
          %dma_wait3A_520 = tpu.memref_slice %arg8[%dma_wait3A_518, %dma_wait3A_519] : memref<50016x32xf32, #tpu.memory_space<vmem_shared>> -> memref<50016x32xf32, #tpu.memory_space<vmem_shared>>
          tpu.wait_indirect_dma semaphore(%arg26 : memref<!tpu.dma_semaphore, #tpu.memory_space<semaphore_mem>>) src(%arg14 : memref<128x32xf32, #tpu.memory_space<vmem>>) dst(%dma_wait3A_520 : memref<50016x32xf32, #tpu.memory_space<vmem_shared>>)
        } else {
        }
        %add3A_101 = arith.constant 1 : i32
        %add3A_102 = arith.addi %add3A_82, %add3A_101 : i32
        %lt3A_103 = arith.constant 800 : i32
        %lt3A_104 = arith.cmpi slt, %add3A_102, %lt3A_103 : i32
        %convert_element_type3A_105 = arith.extui %lt3A_104 : i1 to i32
        %cond3A_106 = arith.constant 0 : i32
        %cond3A_107 = arith.cmpi ne, %convert_element_type3A_105, %cond3A_106 : i32
        scf.if %cond3A_107 {
          %add3A_507 = arith.constant 1 : i32
          %add3A_508 = arith.addi %add3A_82, %add3A_507 : i32
          %mul3A_509 = arith.constant 102400 : i32
          %mul3A_510 = arith.muli %arg1, %mul3A_509 : i32
          %mul3A_511 = arith.constant 128 : i32
          %mul3A_512 = arith.muli %add3A_508, %mul3A_511 : i32
          %add3A_513 = arith.addi %mul3A_510, %mul3A_512 : i32
          %mul3A_514 = arith.constant 800 : i32
          %mul3A_515 = arith.muli %arg1, %mul3A_514 : i32
          %add3A_516 = arith.addi %mul3A_515, %add3A_508 : i32
          %dma_start3A_517 = arith.constant 0 : i32
          %dma_start3A_518 = tpu.memref_slice %arg2[%add3A_513, %dma_start3A_517] : memref<1638400x32xf32, #tpu.memory_space<hbm>> -> memref<128x32xf32, #tpu.memory_space<hbm>>
          %dma_start3A_519 = arith.constant 0 : i32
          %dma_start3A_520 = tpu.memref_slice %arg2[%add3A_513, %dma_start3A_519] : memref<1638400x32xf32, #tpu.memory_space<hbm>> -> memref<128x32xf32, #tpu.memory_space<hbm>>
          tpu.enqueue_dma source(%dma_start3A_520 : memref<128x32xf32, #tpu.memory_space<hbm>>) target(%arg11 : memref<128x32xf32, #tpu.memory_space<vmem>>) target_semaphore(%arg23 : memref<!tpu.dma_semaphore, #tpu.memory_space<semaphore_mem>>)
          %dma_start3A_521 = arith.constant 0 : i32
          %dma_start3A_522 = tpu.memref_slice %arg3[%add3A_513, %dma_start3A_521] : memref<1638400x32xf32, #tpu.memory_space<hbm>> -> memref<128x32xf32, #tpu.memory_space<hbm>>
          %dma_start3A_523 = arith.constant 0 : i32
          %dma_start3A_524 = tpu.memref_slice %arg3[%add3A_513, %dma_start3A_523] : memref<1638400x32xf32, #tpu.memory_space<hbm>> -> memref<128x32xf32, #tpu.memory_space<hbm>>
          tpu.enqueue_dma source(%dma_start3A_524 : memref<128x32xf32, #tpu.memory_space<hbm>>) target(%arg14 : memref<128x32xf32, #tpu.memory_space<vmem>>) target_semaphore(%arg23 : memref<!tpu.dma_semaphore, #tpu.memory_space<semaphore_mem>>)
          %dma_start3A_525 = arith.constant 0 : i32
          %dma_start3A_526 = tpu.memref_slice %arg4[%add3A_516, %dma_start3A_525] : memref<12800x128xi32, #tpu.memory_space<hbm>> -> memref<1x128xi32, #tpu.memory_space<hbm>>
          %dma_start3A_527 = arith.constant 0 : i32
          %dma_start3A_528 = tpu.memref_slice %arg4[%add3A_516, %dma_start3A_527] : memref<12800x128xi32, #tpu.memory_space<hbm>> -> memref<1x128xi32, #tpu.memory_space<hbm>>
          tpu.enqueue_dma source(%dma_start3A_528 : memref<1x128xi32, #tpu.memory_space<hbm>>) target(%arg17 : memref<1x128xi32, #tpu.memory_space<vmem>>) target_semaphore(%arg23 : memref<!tpu.dma_semaphore, #tpu.memory_space<semaphore_mem>>)
          %dma_start3A_529 = arith.constant 0 : i32
          %dma_start3A_530 = tpu.memref_slice %arg5[%add3A_516, %dma_start3A_529] : memref<12800x128xi32, #tpu.memory_space<hbm>> -> memref<1x128xi32, #tpu.memory_space<hbm>>
          %dma_start3A_531 = arith.constant 0 : i32
          %dma_start3A_532 = tpu.memref_slice %arg5[%add3A_516, %dma_start3A_531] : memref<12800x128xi32, #tpu.memory_space<hbm>> -> memref<1x128xi32, #tpu.memory_space<hbm>>
          tpu.enqueue_dma source(%dma_start3A_532 : memref<1x128xi32, #tpu.memory_space<hbm>>) target(%arg20 : memref<1x128xi32, #tpu.memory_space<vmem>>) target_semaphore(%arg23 : memref<!tpu.dma_semaphore, #tpu.memory_space<semaphore_mem>>)
        } else {
        }
        %mul3A_108 = arith.constant 102400 : i32
        %mul3A_109 = arith.muli %arg1, %mul3A_108 : i32
        %mul3A_110 = arith.constant 128 : i32
        %mul3A_111 = arith.muli %add3A_82, %mul3A_110 : i32
        %add3A_112 = arith.addi %mul3A_109, %mul3A_111 : i32
        %mul3A_113 = arith.constant 800 : i32
        %mul3A_114 = arith.muli %arg1, %mul3A_113 : i32
        %add3A_115 = arith.addi %mul3A_114, %add3A_82 : i32
        %dma_wait3A_116 = arith.constant 0 : i32
        %dma_wait3A_117 = tpu.memref_slice %arg2[%add3A_112, %dma_wait3A_116] : memref<1638400x32xf32, #tpu.memory_space<hbm>> -> memref<128x32xf32, #tpu.memory_space<hbm>>
        %dma_wait3A_118 = arith.constant 0 : i32
        %dma_wait3A_119 = tpu.memref_slice %arg2[%add3A_112, %dma_wait3A_118] : memref<1638400x32xf32, #tpu.memory_space<hbm>> -> memref<128x32xf32, #tpu.memory_space<hbm>>
        tpu.wait_dma2 semaphore(%arg22 : memref<!tpu.dma_semaphore, #tpu.memory_space<semaphore_mem>>) src(%dma_wait3A_119 : memref<128x32xf32, #tpu.memory_space<hbm>>) dst(%arg10 : memref<128x32xf32, #tpu.memory_space<vmem>>)
        %dma_wait3A_120 = arith.constant 0 : i32
        %dma_wait3A_121 = tpu.memref_slice %arg3[%add3A_112, %dma_wait3A_120] : memref<1638400x32xf32, #tpu.memory_space<hbm>> -> memref<128x32xf32, #tpu.memory_space<hbm>>
        %dma_wait3A_122 = arith.constant 0 : i32
        %dma_wait3A_123 = tpu.memref_slice %arg3[%add3A_112, %dma_wait3A_122] : memref<1638400x32xf32, #tpu.memory_space<hbm>> -> memref<128x32xf32, #tpu.memory_space<hbm>>
        tpu.wait_dma2 semaphore(%arg22 : memref<!tpu.dma_semaphore, #tpu.memory_space<semaphore_mem>>) src(%dma_wait3A_123 : memref<128x32xf32, #tpu.memory_space<hbm>>) dst(%arg13 : memref<128x32xf32, #tpu.memory_space<vmem>>)
        %dma_wait3A_124 = arith.constant 0 : i32
        %dma_wait3A_125 = tpu.memref_slice %arg4[%add3A_115, %dma_wait3A_124] : memref<12800x128xi32, #tpu.memory_space<hbm>> -> memref<1x128xi32, #tpu.memory_space<hbm>>
        %dma_wait3A_126 = arith.constant 0 : i32
        %dma_wait3A_127 = tpu.memref_slice %arg4[%add3A_115, %dma_wait3A_126] : memref<12800x128xi32, #tpu.memory_space<hbm>> -> memref<1x128xi32, #tpu.memory_space<hbm>>
        tpu.wait_dma2 semaphore(%arg22 : memref<!tpu.dma_semaphore, #tpu.memory_space<semaphore_mem>>) src(%dma_wait3A_127 : memref<1x128xi32, #tpu.memory_space<hbm>>) dst(%arg16 : memref<1x128xi32, #tpu.memory_space<vmem>>)
        %dma_wait3A_128 = arith.constant 0 : i32
        %dma_wait3A_129 = tpu.memref_slice %arg5[%add3A_115, %dma_wait3A_128] : memref<12800x128xi32, #tpu.memory_space<hbm>> -> memref<1x128xi32, #tpu.memory_space<hbm>>
        %dma_wait3A_130 = arith.constant 0 : i32
        %dma_wait3A_131 = tpu.memref_slice %arg5[%add3A_115, %dma_wait3A_130] : memref<12800x128xi32, #tpu.memory_space<hbm>> -> memref<1x128xi32, #tpu.memory_space<hbm>>
        tpu.wait_dma2 semaphore(%arg22 : memref<!tpu.dma_semaphore, #tpu.memory_space<semaphore_mem>>) src(%dma_wait3A_131 : memref<1x128xi32, #tpu.memory_space<hbm>>) dst(%arg19 : memref<1x128xi32, #tpu.memory_space<vmem>>)
        %get3A = arith.constant 0 : i32
        %get3A_132 = arith.index_cast %get3A : i32 to index
        %get3A_133 = arith.constant 0 : index
        %get3A_134 = tpu.vector_load %arg16[%get3A_132, %get3A_133] {strides = array<i32>} : memref<1x128xi32, #tpu.memory_space<vmem>>, vector<1x16xi32>,
        %get3A_135 = vector.shape_cast %get3A_134 : vector<1x16xi32> to vector<16xi32>
        %sub3A = vector.broadcast %mul3A_2 : i32 to vector<16xi32>
        %sub3A_136 = arith.subi %get3A_135, %sub3A : vector<16xi32>
        %ge3A_137 = arith.constant 0 : i32
        %ge3A_138 = vector.broadcast %ge3A_137 : i32 to vector<16xi32>
        %ge3A_139 = arith.cmpi sge, %sub3A_136, %ge3A_138 : vector<16xi32>
        %lt3A_140 = arith.constant 50000 : i32
        %lt3A_141 = vector.broadcast %lt3A_140 : i32 to vector<16xi32>
        %lt3A_142 = arith.cmpi slt, %sub3A_136, %lt3A_141 : vector<16xi32>
        %and3A = arith.andi %ge3A_139, %lt3A_142 : vector<16xi1>
        %jit3A = arith.constant 50000 : i32
        %broadcast_in_dim3A = vector.broadcast %jit3A : i32 to vector<16xi32>
        %select_n3A = arith.select %and3A, %sub3A_136, %broadcast_in_dim3A : vector<16xi1>, vector<16xi32>
        %swap3A = arith.constant 0 : i32
        %swap3A_143 = arith.index_cast %swap3A : i32 to index
        %swap3A_144 = arith.constant 0 : index
        %swap3A_145 = tpu.vector_load %arg16[%swap3A_143, %swap3A_144] {strides = array<i32>} : memref<1x128xi32, #tpu.memory_space<vmem>>, vector<1x16xi32>,
        %swap3A_146 = vector.shape_cast %swap3A_145 : vector<1x16xi32> to vector<16xi32>
        %swap3A_147 = vector.shape_cast %select_n3A : vector<16xi32> to vector<1x16xi32>
        tpu.vector_store %arg16[%swap3A_143, %swap3A_144], %swap3A_147 {strides = array<i32>} : memref<1x128xi32, #tpu.memory_space<vmem>>, vector<1x16xi32>,
        %get3A_148 = arith.constant 0 : i32
        %get3A_149 = arith.index_cast %get3A_148 : i32 to index
        %get3A_150 = arith.constant 0 : index
        %get3A_151 = tpu.vector_load %arg19[%get3A_149, %get3A_150] {strides = array<i32>} : memref<1x128xi32, #tpu.memory_space<vmem>>, vector<1x16xi32>,
        %get3A_152 = vector.shape_cast %get3A_151 : vector<1x16xi32> to vector<16xi32>
        %sub3A_153 = vector.broadcast %mul3A_2 : i32 to vector<16xi32>
        %sub3A_154 = arith.subi %get3A_152, %sub3A_153 : vector<16xi32>
        %ge3A_155 = arith.constant 0 : i32
        %ge3A_156 = vector.broadcast %ge3A_155 : i32 to vector<16xi32>
        %ge3A_157 = arith.cmpi sge, %sub3A_154, %ge3A_156 : vector<16xi32>
        %lt3A_158 = arith.constant 50000 : i32
        %lt3A_159 = vector.broadcast %lt3A_158 : i32 to vector<16xi32>
        %lt3A_160 = arith.cmpi slt, %sub3A_154, %lt3A_159 : vector<16xi32>
        %and3A_161 = arith.andi %ge3A_157, %lt3A_160 : vector<16xi1>
        %jit3A_162 = arith.constant 50000 : i32
        %broadcast_in_dim3A_163 = vector.broadcast %jit3A_162 : i32 to vector<16xi32>
        %select_n3A_164 = arith.select %and3A_161, %sub3A_154, %broadcast_in_dim3A_163 : vector<16xi1>, vector<16xi32>
        %swap3A_165 = arith.constant 0 : i32
        %swap3A_166 = arith.index_cast %swap3A_165 : i32 to index
        %swap3A_167 = arith.constant 0 : index
        %swap3A_168 = tpu.vector_load %arg19[%swap3A_166, %swap3A_167] {strides = array<i32>} : memref<1x128xi32, #tpu.memory_space<vmem>>, vector<1x16xi32>,
        %swap3A_169 = vector.shape_cast %swap3A_168 : vector<1x16xi32> to vector<16xi32>
        %swap3A_170 = vector.shape_cast %select_n3A_164 : vector<16xi32> to vector<1x16xi32>
        tpu.vector_store %arg19[%swap3A_166, %swap3A_167], %swap3A_170 {strides = array<i32>} : memref<1x128xi32, #tpu.memory_space<vmem>>, vector<1x16xi32>,
        %get3A_171 = arith.constant 0 : i32
        %get3A_172 = arith.index_cast %get3A_171 : i32 to index
        %get3A_173 = arith.constant 16 : index
        %get3A_174 = tpu.vector_load %arg16[%get3A_172, %get3A_173] {strides = array<i32>} : memref<1x128xi32, #tpu.memory_space<vmem>>, vector<1x16xi32>,
        %get3A_175 = vector.shape_cast %get3A_174 : vector<1x16xi32> to vector<16xi32>
        %sub3A_176 = vector.broadcast %mul3A_2 : i32 to vector<16xi32>
        %sub3A_177 = arith.subi %get3A_175, %sub3A_176 : vector<16xi32>
        %ge3A_178 = arith.constant 0 : i32
        %ge3A_179 = vector.broadcast %ge3A_178 : i32 to vector<16xi32>
        %ge3A_180 = arith.cmpi sge, %sub3A_177, %ge3A_179 : vector<16xi32>
        %lt3A_181 = arith.constant 50000 : i32
        %lt3A_182 = vector.broadcast %lt3A_181 : i32 to vector<16xi32>
        %lt3A_183 = arith.cmpi slt, %sub3A_177, %lt3A_182 : vector<16xi32>
        %and3A_184 = arith.andi %ge3A_180, %lt3A_183 : vector<16xi1>
        %jit3A_185 = arith.constant 50000 : i32
        %broadcast_in_dim3A_186 = vector.broadcast %jit3A_185 : i32 to vector<16xi32>
        %select_n3A_187 = arith.select %and3A_184, %sub3A_177, %broadcast_in_dim3A_186 : vector<16xi1>, vector<16xi32>
        %swap3A_188 = arith.constant 0 : i32
        %swap3A_189 = arith.index_cast %swap3A_188 : i32 to index
        %swap3A_190 = arith.constant 16 : index
        %swap3A_191 = tpu.vector_load %arg16[%swap3A_189, %swap3A_190] {strides = array<i32>} : memref<1x128xi32, #tpu.memory_space<vmem>>, vector<1x16xi32>,
        %swap3A_192 = vector.shape_cast %swap3A_191 : vector<1x16xi32> to vector<16xi32>
        %swap3A_193 = vector.shape_cast %select_n3A_187 : vector<16xi32> to vector<1x16xi32>
        tpu.vector_store %arg16[%swap3A_189, %swap3A_190], %swap3A_193 {strides = array<i32>} : memref<1x128xi32, #tpu.memory_space<vmem>>, vector<1x16xi32>,
        %get3A_194 = arith.constant 0 : i32
        %get3A_195 = arith.index_cast %get3A_194 : i32 to index
        %get3A_196 = arith.constant 16 : index
        %get3A_197 = tpu.vector_load %arg19[%get3A_195, %get3A_196] {strides = array<i32>} : memref<1x128xi32, #tpu.memory_space<vmem>>, vector<1x16xi32>,
        %get3A_198 = vector.shape_cast %get3A_197 : vector<1x16xi32> to vector<16xi32>
        %sub3A_199 = vector.broadcast %mul3A_2 : i32 to vector<16xi32>
        %sub3A_200 = arith.subi %get3A_198, %sub3A_199 : vector<16xi32>
        %ge3A_201 = arith.constant 0 : i32
        %ge3A_202 = vector.broadcast %ge3A_201 : i32 to vector<16xi32>
        %ge3A_203 = arith.cmpi sge, %sub3A_200, %ge3A_202 : vector<16xi32>
        %lt3A_204 = arith.constant 50000 : i32
        %lt3A_205 = vector.broadcast %lt3A_204 : i32 to vector<16xi32>
        %lt3A_206 = arith.cmpi slt, %sub3A_200, %lt3A_205 : vector<16xi32>
        %and3A_207 = arith.andi %ge3A_203, %lt3A_206 : vector<16xi1>
        %jit3A_208 = arith.constant 50000 : i32
        %broadcast_in_dim3A_209 = vector.broadcast %jit3A_208 : i32 to vector<16xi32>
        %select_n3A_210 = arith.select %and3A_207, %sub3A_200, %broadcast_in_dim3A_209 : vector<16xi1>, vector<16xi32>
        %swap3A_211 = arith.constant 0 : i32
        %swap3A_212 = arith.index_cast %swap3A_211 : i32 to index
        %swap3A_213 = arith.constant 16 : index
        %swap3A_214 = tpu.vector_load %arg19[%swap3A_212, %swap3A_213] {strides = array<i32>} : memref<1x128xi32, #tpu.memory_space<vmem>>, vector<1x16xi32>,
        %swap3A_215 = vector.shape_cast %swap3A_214 : vector<1x16xi32> to vector<16xi32>
        %swap3A_216 = vector.shape_cast %select_n3A_210 : vector<16xi32> to vector<1x16xi32>
        tpu.vector_store %arg19[%swap3A_212, %swap3A_213], %swap3A_216 {strides = array<i32>} : memref<1x128xi32, #tpu.memory_space<vmem>>, vector<1x16xi32>,
        %get3A_217 = arith.constant 0 : i32
        %get3A_218 = arith.index_cast %get3A_217 : i32 to index
        %get3A_219 = arith.constant 32 : index
        %get3A_220 = tpu.vector_load %arg16[%get3A_218, %get3A_219] {strides = array<i32>} : memref<1x128xi32, #tpu.memory_space<vmem>>, vector<1x16xi32>,
        %get3A_221 = vector.shape_cast %get3A_220 : vector<1x16xi32> to vector<16xi32>
        %sub3A_222 = vector.broadcast %mul3A_2 : i32 to vector<16xi32>
        %sub3A_223 = arith.subi %get3A_221, %sub3A_222 : vector<16xi32>
        %ge3A_224 = arith.constant 0 : i32
        %ge3A_225 = vector.broadcast %ge3A_224 : i32 to vector<16xi32>
        %ge3A_226 = arith.cmpi sge, %sub3A_223, %ge3A_225 : vector<16xi32>
        %lt3A_227 = arith.constant 50000 : i32
        %lt3A_228 = vector.broadcast %lt3A_227 : i32 to vector<16xi32>
        %lt3A_229 = arith.cmpi slt, %sub3A_223, %lt3A_228 : vector<16xi32>
        %and3A_230 = arith.andi %ge3A_226, %lt3A_229 : vector<16xi1>
        %jit3A_231 = arith.constant 50000 : i32
        %broadcast_in_dim3A_232 = vector.broadcast %jit3A_231 : i32 to vector<16xi32>
        %select_n3A_233 = arith.select %and3A_230, %sub3A_223, %broadcast_in_dim3A_232 : vector<16xi1>, vector<16xi32>
        %swap3A_234 = arith.constant 0 : i32
        %swap3A_235 = arith.index_cast %swap3A_234 : i32 to index
        %swap3A_236 = arith.constant 32 : index
        %swap3A_237 = tpu.vector_load %arg16[%swap3A_235, %swap3A_236] {strides = array<i32>} : memref<1x128xi32, #tpu.memory_space<vmem>>, vector<1x16xi32>,
        %swap3A_238 = vector.shape_cast %swap3A_237 : vector<1x16xi32> to vector<16xi32>
        %swap3A_239 = vector.shape_cast %select_n3A_233 : vector<16xi32> to vector<1x16xi32>
        tpu.vector_store %arg16[%swap3A_235, %swap3A_236], %swap3A_239 {strides = array<i32>} : memref<1x128xi32, #tpu.memory_space<vmem>>, vector<1x16xi32>,
        %get3A_240 = arith.constant 0 : i32
        %get3A_241 = arith.index_cast %get3A_240 : i32 to index
        %get3A_242 = arith.constant 32 : index
        %get3A_243 = tpu.vector_load %arg19[%get3A_241, %get3A_242] {strides = array<i32>} : memref<1x128xi32, #tpu.memory_space<vmem>>, vector<1x16xi32>,
        %get3A_244 = vector.shape_cast %get3A_243 : vector<1x16xi32> to vector<16xi32>
        %sub3A_245 = vector.broadcast %mul3A_2 : i32 to vector<16xi32>
        %sub3A_246 = arith.subi %get3A_244, %sub3A_245 : vector<16xi32>
        %ge3A_247 = arith.constant 0 : i32
        %ge3A_248 = vector.broadcast %ge3A_247 : i32 to vector<16xi32>
        %ge3A_249 = arith.cmpi sge, %sub3A_246, %ge3A_248 : vector<16xi32>
        %lt3A_250 = arith.constant 50000 : i32
        %lt3A_251 = vector.broadcast %lt3A_250 : i32 to vector<16xi32>
        %lt3A_252 = arith.cmpi slt, %sub3A_246, %lt3A_251 : vector<16xi32>
        %and3A_253 = arith.andi %ge3A_249, %lt3A_252 : vector<16xi1>
        %jit3A_254 = arith.constant 50000 : i32
        %broadcast_in_dim3A_255 = vector.broadcast %jit3A_254 : i32 to vector<16xi32>
        %select_n3A_256 = arith.select %and3A_253, %sub3A_246, %broadcast_in_dim3A_255 : vector<16xi1>, vector<16xi32>
        %swap3A_257 = arith.constant 0 : i32
        %swap3A_258 = arith.index_cast %swap3A_257 : i32 to index
        %swap3A_259 = arith.constant 32 : index
        %swap3A_260 = tpu.vector_load %arg19[%swap3A_258, %swap3A_259] {strides = array<i32>} : memref<1x128xi32, #tpu.memory_space<vmem>>, vector<1x16xi32>,
        %swap3A_261 = vector.shape_cast %swap3A_260 : vector<1x16xi32> to vector<16xi32>
        %swap3A_262 = vector.shape_cast %select_n3A_256 : vector<16xi32> to vector<1x16xi32>
        tpu.vector_store %arg19[%swap3A_258, %swap3A_259], %swap3A_262 {strides = array<i32>} : memref<1x128xi32, #tpu.memory_space<vmem>>, vector<1x16xi32>,
        %get3A_263 = arith.constant 0 : i32
        %get3A_264 = arith.index_cast %get3A_263 : i32 to index
        %get3A_265 = arith.constant 48 : index
        %get3A_266 = tpu.vector_load %arg16[%get3A_264, %get3A_265] {strides = array<i32>} : memref<1x128xi32, #tpu.memory_space<vmem>>, vector<1x16xi32>,
        %get3A_267 = vector.shape_cast %get3A_266 : vector<1x16xi32> to vector<16xi32>
        %sub3A_268 = vector.broadcast %mul3A_2 : i32 to vector<16xi32>
        %sub3A_269 = arith.subi %get3A_267, %sub3A_268 : vector<16xi32>
        %ge3A_270 = arith.constant 0 : i32
        %ge3A_271 = vector.broadcast %ge3A_270 : i32 to vector<16xi32>
        %ge3A_272 = arith.cmpi sge, %sub3A_269, %ge3A_271 : vector<16xi32>
        %lt3A_273 = arith.constant 50000 : i32
        %lt3A_274 = vector.broadcast %lt3A_273 : i32 to vector<16xi32>
        %lt3A_275 = arith.cmpi slt, %sub3A_269, %lt3A_274 : vector<16xi32>
        %and3A_276 = arith.andi %ge3A_272, %lt3A_275 : vector<16xi1>
        %jit3A_277 = arith.constant 50000 : i32
        %broadcast_in_dim3A_278 = vector.broadcast %jit3A_277 : i32 to vector<16xi32>
        %select_n3A_279 = arith.select %and3A_276, %sub3A_269, %broadcast_in_dim3A_278 : vector<16xi1>, vector<16xi32>
        %swap3A_280 = arith.constant 0 : i32
        %swap3A_281 = arith.index_cast %swap3A_280 : i32 to index
        %swap3A_282 = arith.constant 48 : index
        %swap3A_283 = tpu.vector_load %arg16[%swap3A_281, %swap3A_282] {strides = array<i32>} : memref<1x128xi32, #tpu.memory_space<vmem>>, vector<1x16xi32>,
        %swap3A_284 = vector.shape_cast %swap3A_283 : vector<1x16xi32> to vector<16xi32>
        %swap3A_285 = vector.shape_cast %select_n3A_279 : vector<16xi32> to vector<1x16xi32>
        tpu.vector_store %arg16[%swap3A_281, %swap3A_282], %swap3A_285 {strides = array<i32>} : memref<1x128xi32, #tpu.memory_space<vmem>>, vector<1x16xi32>,
        %get3A_286 = arith.constant 0 : i32
        %get3A_287 = arith.index_cast %get3A_286 : i32 to index
        %get3A_288 = arith.constant 48 : index
        %get3A_289 = tpu.vector_load %arg19[%get3A_287, %get3A_288] {strides = array<i32>} : memref<1x128xi32, #tpu.memory_space<vmem>>, vector<1x16xi32>,
        %get3A_290 = vector.shape_cast %get3A_289 : vector<1x16xi32> to vector<16xi32>
        %sub3A_291 = vector.broadcast %mul3A_2 : i32 to vector<16xi32>
        %sub3A_292 = arith.subi %get3A_290, %sub3A_291 : vector<16xi32>
        %ge3A_293 = arith.constant 0 : i32
        %ge3A_294 = vector.broadcast %ge3A_293 : i32 to vector<16xi32>
        %ge3A_295 = arith.cmpi sge, %sub3A_292, %ge3A_294 : vector<16xi32>
        %lt3A_296 = arith.constant 50000 : i32
        %lt3A_297 = vector.broadcast %lt3A_296 : i32 to vector<16xi32>
        %lt3A_298 = arith.cmpi slt, %sub3A_292, %lt3A_297 : vector<16xi32>
        %and3A_299 = arith.andi %ge3A_295, %lt3A_298 : vector<16xi1>
        %jit3A_300 = arith.constant 50000 : i32
        %broadcast_in_dim3A_301 = vector.broadcast %jit3A_300 : i32 to vector<16xi32>
        %select_n3A_302 = arith.select %and3A_299, %sub3A_292, %broadcast_in_dim3A_301 : vector<16xi1>, vector<16xi32>
        %swap3A_303 = arith.constant 0 : i32
        %swap3A_304 = arith.index_cast %swap3A_303 : i32 to index
        %swap3A_305 = arith.constant 48 : index
        %swap3A_306 = tpu.vector_load %arg19[%swap3A_304, %swap3A_305] {strides = array<i32>} : memref<1x128xi32, #tpu.memory_space<vmem>>, vector<1x16xi32>,
        %swap3A_307 = vector.shape_cast %swap3A_306 : vector<1x16xi32> to vector<16xi32>
        %swap3A_308 = vector.shape_cast %select_n3A_302 : vector<16xi32> to vector<1x16xi32>
        tpu.vector_store %arg19[%swap3A_304, %swap3A_305], %swap3A_308 {strides = array<i32>} : memref<1x128xi32, #tpu.memory_space<vmem>>, vector<1x16xi32>,
        %get3A_309 = arith.constant 0 : i32
        %get3A_310 = arith.index_cast %get3A_309 : i32 to index
        %get3A_311 = arith.constant 64 : index
        %get3A_312 = tpu.vector_load %arg16[%get3A_310, %get3A_311] {strides = array<i32>} : memref<1x128xi32, #tpu.memory_space<vmem>>, vector<1x16xi32>,
        %get3A_313 = vector.shape_cast %get3A_312 : vector<1x16xi32> to vector<16xi32>
        %sub3A_314 = vector.broadcast %mul3A_2 : i32 to vector<16xi32>
        %sub3A_315 = arith.subi %get3A_313, %sub3A_314 : vector<16xi32>
        %ge3A_316 = arith.constant 0 : i32
        %ge3A_317 = vector.broadcast %ge3A_316 : i32 to vector<16xi32>
        %ge3A_318 = arith.cmpi sge, %sub3A_315, %ge3A_317 : vector<16xi32>
        %lt3A_319 = arith.constant 50000 : i32
        %lt3A_320 = vector.broadcast %lt3A_319 : i32 to vector<16xi32>
        %lt3A_321 = arith.cmpi slt, %sub3A_315, %lt3A_320 : vector<16xi32>
        %and3A_322 = arith.andi %ge3A_318, %lt3A_321 : vector<16xi1>
        %jit3A_323 = arith.constant 50000 : i32
        %broadcast_in_dim3A_324 = vector.broadcast %jit3A_323 : i32 to vector<16xi32>
        %select_n3A_325 = arith.select %and3A_322, %sub3A_315, %broadcast_in_dim3A_324 : vector<16xi1>, vector<16xi32>
        %swap3A_326 = arith.constant 0 : i32
        %swap3A_327 = arith.index_cast %swap3A_326 : i32 to index
        %swap3A_328 = arith.constant 64 : index
        %swap3A_329 = tpu.vector_load %arg16[%swap3A_327, %swap3A_328] {strides = array<i32>} : memref<1x128xi32, #tpu.memory_space<vmem>>, vector<1x16xi32>,
        %swap3A_330 = vector.shape_cast %swap3A_329 : vector<1x16xi32> to vector<16xi32>
        %swap3A_331 = vector.shape_cast %select_n3A_325 : vector<16xi32> to vector<1x16xi32>
        tpu.vector_store %arg16[%swap3A_327, %swap3A_328], %swap3A_331 {strides = array<i32>} : memref<1x128xi32, #tpu.memory_space<vmem>>, vector<1x16xi32>,
        %get3A_332 = arith.constant 0 : i32
        %get3A_333 = arith.index_cast %get3A_332 : i32 to index
        %get3A_334 = arith.constant 64 : index
        %get3A_335 = tpu.vector_load %arg19[%get3A_333, %get3A_334] {strides = array<i32>} : memref<1x128xi32, #tpu.memory_space<vmem>>, vector<1x16xi32>,
        %get3A_336 = vector.shape_cast %get3A_335 : vector<1x16xi32> to vector<16xi32>
        %sub3A_337 = vector.broadcast %mul3A_2 : i32 to vector<16xi32>
        %sub3A_338 = arith.subi %get3A_336, %sub3A_337 : vector<16xi32>
        %ge3A_339 = arith.constant 0 : i32
        %ge3A_340 = vector.broadcast %ge3A_339 : i32 to vector<16xi32>
        %ge3A_341 = arith.cmpi sge, %sub3A_338, %ge3A_340 : vector<16xi32>
        %lt3A_342 = arith.constant 50000 : i32
        %lt3A_343 = vector.broadcast %lt3A_342 : i32 to vector<16xi32>
        %lt3A_344 = arith.cmpi slt, %sub3A_338, %lt3A_343 : vector<16xi32>
        %and3A_345 = arith.andi %ge3A_341, %lt3A_344 : vector<16xi1>
        %jit3A_346 = arith.constant 50000 : i32
        %broadcast_in_dim3A_347 = vector.broadcast %jit3A_346 : i32 to vector<16xi32>
        %select_n3A_348 = arith.select %and3A_345, %sub3A_338, %broadcast_in_dim3A_347 : vector<16xi1>, vector<16xi32>
        %swap3A_349 = arith.constant 0 : i32
        %swap3A_350 = arith.index_cast %swap3A_349 : i32 to index
        %swap3A_351 = arith.constant 64 : index
        %swap3A_352 = tpu.vector_load %arg19[%swap3A_350, %swap3A_351] {strides = array<i32>} : memref<1x128xi32, #tpu.memory_space<vmem>>, vector<1x16xi32>,
        %swap3A_353 = vector.shape_cast %swap3A_352 : vector<1x16xi32> to vector<16xi32>
        %swap3A_354 = vector.shape_cast %select_n3A_348 : vector<16xi32> to vector<1x16xi32>
        tpu.vector_store %arg19[%swap3A_350, %swap3A_351], %swap3A_354 {strides = array<i32>} : memref<1x128xi32, #tpu.memory_space<vmem>>, vector<1x16xi32>,
        %get3A_355 = arith.constant 0 : i32
        %get3A_356 = arith.index_cast %get3A_355 : i32 to index
        %get3A_357 = arith.constant 80 : index
        %get3A_358 = tpu.vector_load %arg16[%get3A_356, %get3A_357] {strides = array<i32>} : memref<1x128xi32, #tpu.memory_space<vmem>>, vector<1x16xi32>,
        %get3A_359 = vector.shape_cast %get3A_358 : vector<1x16xi32> to vector<16xi32>
        %sub3A_360 = vector.broadcast %mul3A_2 : i32 to vector<16xi32>
        %sub3A_361 = arith.subi %get3A_359, %sub3A_360 : vector<16xi32>
        %ge3A_362 = arith.constant 0 : i32
        %ge3A_363 = vector.broadcast %ge3A_362 : i32 to vector<16xi32>
        %ge3A_364 = arith.cmpi sge, %sub3A_361, %ge3A_363 : vector<16xi32>
        %lt3A_365 = arith.constant 50000 : i32
        %lt3A_366 = vector.broadcast %lt3A_365 : i32 to vector<16xi32>
        %lt3A_367 = arith.cmpi slt, %sub3A_361, %lt3A_366 : vector<16xi32>
        %and3A_368 = arith.andi %ge3A_364, %lt3A_367 : vector<16xi1>
        %jit3A_369 = arith.constant 50000 : i32
        %broadcast_in_dim3A_370 = vector.broadcast %jit3A_369 : i32 to vector<16xi32>
        %select_n3A_371 = arith.select %and3A_368, %sub3A_361, %broadcast_in_dim3A_370 : vector<16xi1>, vector<16xi32>
        %swap3A_372 = arith.constant 0 : i32
        %swap3A_373 = arith.index_cast %swap3A_372 : i32 to index
        %swap3A_374 = arith.constant 80 : index
        %swap3A_375 = tpu.vector_load %arg16[%swap3A_373, %swap3A_374] {strides = array<i32>} : memref<1x128xi32, #tpu.memory_space<vmem>>, vector<1x16xi32>,
        %swap3A_376 = vector.shape_cast %swap3A_375 : vector<1x16xi32> to vector<16xi32>
        %swap3A_377 = vector.shape_cast %select_n3A_371 : vector<16xi32> to vector<1x16xi32>
        tpu.vector_store %arg16[%swap3A_373, %swap3A_374], %swap3A_377 {strides = array<i32>} : memref<1x128xi32, #tpu.memory_space<vmem>>, vector<1x16xi32>,
        %get3A_378 = arith.constant 0 : i32
        %get3A_379 = arith.index_cast %get3A_378 : i32 to index
        %get3A_380 = arith.constant 80 : index
        %get3A_381 = tpu.vector_load %arg19[%get3A_379, %get3A_380] {strides = array<i32>} : memref<1x128xi32, #tpu.memory_space<vmem>>, vector<1x16xi32>,
        %get3A_382 = vector.shape_cast %get3A_381 : vector<1x16xi32> to vector<16xi32>
        %sub3A_383 = vector.broadcast %mul3A_2 : i32 to vector<16xi32>
        %sub3A_384 = arith.subi %get3A_382, %sub3A_383 : vector<16xi32>
        %ge3A_385 = arith.constant 0 : i32
        %ge3A_386 = vector.broadcast %ge3A_385 : i32 to vector<16xi32>
        %ge3A_387 = arith.cmpi sge, %sub3A_384, %ge3A_386 : vector<16xi32>
        %lt3A_388 = arith.constant 50000 : i32
        %lt3A_389 = vector.broadcast %lt3A_388 : i32 to vector<16xi32>
        %lt3A_390 = arith.cmpi slt, %sub3A_384, %lt3A_389 : vector<16xi32>
        %and3A_391 = arith.andi %ge3A_387, %lt3A_390 : vector<16xi1>
        %jit3A_392 = arith.constant 50000 : i32
        %broadcast_in_dim3A_393 = vector.broadcast %jit3A_392 : i32 to vector<16xi32>
        %select_n3A_394 = arith.select %and3A_391, %sub3A_384, %broadcast_in_dim3A_393 : vector<16xi1>, vector<16xi32>
        %swap3A_395 = arith.constant 0 : i32
        %swap3A_396 = arith.index_cast %swap3A_395 : i32 to index
        %swap3A_397 = arith.constant 80 : index
        %swap3A_398 = tpu.vector_load %arg19[%swap3A_396, %swap3A_397] {strides = array<i32>} : memref<1x128xi32, #tpu.memory_space<vmem>>, vector<1x16xi32>,
        %swap3A_399 = vector.shape_cast %swap3A_398 : vector<1x16xi32> to vector<16xi32>
        %swap3A_400 = vector.shape_cast %select_n3A_394 : vector<16xi32> to vector<1x16xi32>
        tpu.vector_store %arg19[%swap3A_396, %swap3A_397], %swap3A_400 {strides = array<i32>} : memref<1x128xi32, #tpu.memory_space<vmem>>, vector<1x16xi32>,
        %get3A_401 = arith.constant 0 : i32
        %get3A_402 = arith.index_cast %get3A_401 : i32 to index
        %get3A_403 = arith.constant 96 : index
        %get3A_404 = tpu.vector_load %arg16[%get3A_402, %get3A_403] {strides = array<i32>} : memref<1x128xi32, #tpu.memory_space<vmem>>, vector<1x16xi32>,
        %get3A_405 = vector.shape_cast %get3A_404 : vector<1x16xi32> to vector<16xi32>
        %sub3A_406 = vector.broadcast %mul3A_2 : i32 to vector<16xi32>
        %sub3A_407 = arith.subi %get3A_405, %sub3A_406 : vector<16xi32>
        %ge3A_408 = arith.constant 0 : i32
        %ge3A_409 = vector.broadcast %ge3A_408 : i32 to vector<16xi32>
        %ge3A_410 = arith.cmpi sge, %sub3A_407, %ge3A_409 : vector<16xi32>
        %lt3A_411 = arith.constant 50000 : i32
        %lt3A_412 = vector.broadcast %lt3A_411 : i32 to vector<16xi32>
        %lt3A_413 = arith.cmpi slt, %sub3A_407, %lt3A_412 : vector<16xi32>
        %and3A_414 = arith.andi %ge3A_410, %lt3A_413 : vector<16xi1>
        %jit3A_415 = arith.constant 50000 : i32
        %broadcast_in_dim3A_416 = vector.broadcast %jit3A_415 : i32 to vector<16xi32>
        %select_n3A_417 = arith.select %and3A_414, %sub3A_407, %broadcast_in_dim3A_416 : vector<16xi1>, vector<16xi32>
        %swap3A_418 = arith.constant 0 : i32
        %swap3A_419 = arith.index_cast %swap3A_418 : i32 to index
        %swap3A_420 = arith.constant 96 : index
        %swap3A_421 = tpu.vector_load %arg16[%swap3A_419, %swap3A_420] {strides = array<i32>} : memref<1x128xi32, #tpu.memory_space<vmem>>, vector<1x16xi32>,
        %swap3A_422 = vector.shape_cast %swap3A_421 : vector<1x16xi32> to vector<16xi32>
        %swap3A_423 = vector.shape_cast %select_n3A_417 : vector<16xi32> to vector<1x16xi32>
        tpu.vector_store %arg16[%swap3A_419, %swap3A_420], %swap3A_423 {strides = array<i32>} : memref<1x128xi32, #tpu.memory_space<vmem>>, vector<1x16xi32>,
        %get3A_424 = arith.constant 0 : i32
        %get3A_425 = arith.index_cast %get3A_424 : i32 to index
        %get3A_426 = arith.constant 96 : index
        %get3A_427 = tpu.vector_load %arg19[%get3A_425, %get3A_426] {strides = array<i32>} : memref<1x128xi32, #tpu.memory_space<vmem>>, vector<1x16xi32>,
        %get3A_428 = vector.shape_cast %get3A_427 : vector<1x16xi32> to vector<16xi32>
        %sub3A_429 = vector.broadcast %mul3A_2 : i32 to vector<16xi32>
        %sub3A_430 = arith.subi %get3A_428, %sub3A_429 : vector<16xi32>
        %ge3A_431 = arith.constant 0 : i32
        %ge3A_432 = vector.broadcast %ge3A_431 : i32 to vector<16xi32>
        %ge3A_433 = arith.cmpi sge, %sub3A_430, %ge3A_432 : vector<16xi32>
        %lt3A_434 = arith.constant 50000 : i32
        %lt3A_435 = vector.broadcast %lt3A_434 : i32 to vector<16xi32>
        %lt3A_436 = arith.cmpi slt, %sub3A_430, %lt3A_435 : vector<16xi32>
        %and3A_437 = arith.andi %ge3A_433, %lt3A_436 : vector<16xi1>
        %jit3A_438 = arith.constant 50000 : i32
        %broadcast_in_dim3A_439 = vector.broadcast %jit3A_438 : i32 to vector<16xi32>
        %select_n3A_440 = arith.select %and3A_437, %sub3A_430, %broadcast_in_dim3A_439 : vector<16xi1>, vector<16xi32>
        %swap3A_441 = arith.constant 0 : i32
        %swap3A_442 = arith.index_cast %swap3A_441 : i32 to index
        %swap3A_443 = arith.constant 96 : index
        %swap3A_444 = tpu.vector_load %arg19[%swap3A_442, %swap3A_443] {strides = array<i32>} : memref<1x128xi32, #tpu.memory_space<vmem>>, vector<1x16xi32>,
        %swap3A_445 = vector.shape_cast %swap3A_444 : vector<1x16xi32> to vector<16xi32>
        %swap3A_446 = vector.shape_cast %select_n3A_440 : vector<16xi32> to vector<1x16xi32>
        tpu.vector_store %arg19[%swap3A_442, %swap3A_443], %swap3A_446 {strides = array<i32>} : memref<1x128xi32, #tpu.memory_space<vmem>>, vector<1x16xi32>,
        %get3A_447 = arith.constant 0 : i32
        %get3A_448 = arith.index_cast %get3A_447 : i32 to index
        %get3A_449 = arith.constant 112 : index
        %get3A_450 = tpu.vector_load %arg16[%get3A_448, %get3A_449] {strides = array<i32>} : memref<1x128xi32, #tpu.memory_space<vmem>>, vector<1x16xi32>,
        %get3A_451 = vector.shape_cast %get3A_450 : vector<1x16xi32> to vector<16xi32>
        %sub3A_452 = vector.broadcast %mul3A_2 : i32 to vector<16xi32>
        %sub3A_453 = arith.subi %get3A_451, %sub3A_452 : vector<16xi32>
        %ge3A_454 = arith.constant 0 : i32
        %ge3A_455 = vector.broadcast %ge3A_454 : i32 to vector<16xi32>
        %ge3A_456 = arith.cmpi sge, %sub3A_453, %ge3A_455 : vector<16xi32>
        %lt3A_457 = arith.constant 50000 : i32
        %lt3A_458 = vector.broadcast %lt3A_457 : i32 to vector<16xi32>
        %lt3A_459 = arith.cmpi slt, %sub3A_453, %lt3A_458 : vector<16xi32>
        %and3A_460 = arith.andi %ge3A_456, %lt3A_459 : vector<16xi1>
        %jit3A_461 = arith.constant 50000 : i32
        %broadcast_in_dim3A_462 = vector.broadcast %jit3A_461 : i32 to vector<16xi32>
        %select_n3A_463 = arith.select %and3A_460, %sub3A_453, %broadcast_in_dim3A_462 : vector<16xi1>, vector<16xi32>
        %swap3A_464 = arith.constant 0 : i32
        %swap3A_465 = arith.index_cast %swap3A_464 : i32 to index
        %swap3A_466 = arith.constant 112 : index
        %swap3A_467 = tpu.vector_load %arg16[%swap3A_465, %swap3A_466] {strides = array<i32>} : memref<1x128xi32, #tpu.memory_space<vmem>>, vector<1x16xi32>,
        %swap3A_468 = vector.shape_cast %swap3A_467 : vector<1x16xi32> to vector<16xi32>
        %swap3A_469 = vector.shape_cast %select_n3A_463 : vector<16xi32> to vector<1x16xi32>
        tpu.vector_store %arg16[%swap3A_465, %swap3A_466], %swap3A_469 {strides = array<i32>} : memref<1x128xi32, #tpu.memory_space<vmem>>, vector<1x16xi32>,
        %get3A_470 = arith.constant 0 : i32
        %get3A_471 = arith.index_cast %get3A_470 : i32 to index
        %get3A_472 = arith.constant 112 : index
        %get3A_473 = tpu.vector_load %arg19[%get3A_471, %get3A_472] {strides = array<i32>} : memref<1x128xi32, #tpu.memory_space<vmem>>, vector<1x16xi32>,
        %get3A_474 = vector.shape_cast %get3A_473 : vector<1x16xi32> to vector<16xi32>
        %sub3A_475 = vector.broadcast %mul3A_2 : i32 to vector<16xi32>
        %sub3A_476 = arith.subi %get3A_474, %sub3A_475 : vector<16xi32>
        %ge3A_477 = arith.constant 0 : i32
        %ge3A_478 = vector.broadcast %ge3A_477 : i32 to vector<16xi32>
        %ge3A_479 = arith.cmpi sge, %sub3A_476, %ge3A_478 : vector<16xi32>
        %lt3A_480 = arith.constant 50000 : i32
        %lt3A_481 = vector.broadcast %lt3A_480 : i32 to vector<16xi32>
        %lt3A_482 = arith.cmpi slt, %sub3A_476, %lt3A_481 : vector<16xi32>
        %and3A_483 = arith.andi %ge3A_479, %lt3A_482 : vector<16xi1>
        %jit3A_484 = arith.constant 50000 : i32
        %broadcast_in_dim3A_485 = vector.broadcast %jit3A_484 : i32 to vector<16xi32>
        %select_n3A_486 = arith.select %and3A_483, %sub3A_476, %broadcast_in_dim3A_485 : vector<16xi1>, vector<16xi32>
        %swap3A_487 = arith.constant 0 : i32
        %swap3A_488 = arith.index_cast %swap3A_487 : i32 to index
        %swap3A_489 = arith.constant 112 : index
        %swap3A_490 = tpu.vector_load %arg19[%swap3A_488, %swap3A_489] {strides = array<i32>} : memref<1x128xi32, #tpu.memory_space<vmem>>, vector<1x16xi32>,
        %swap3A_491 = vector.shape_cast %swap3A_490 : vector<1x16xi32> to vector<16xi32>
        %swap3A_492 = vector.shape_cast %select_n3A_486 : vector<16xi32> to vector<1x16xi32>
        tpu.vector_store %arg19[%swap3A_488, %swap3A_489], %swap3A_492 {strides = array<i32>} : memref<1x128xi32, #tpu.memory_space<vmem>>, vector<1x16xi32>,
        %dma_start3A_493 = arith.constant 0 : i32
        %dma_start3A_494 = arith.constant 0 : i32
        %dma_start3A_495 = tpu.memref_slice %arg16[%dma_start3A_493, %dma_start3A_494] : memref<1x128xi32, #tpu.memory_space<vmem>> -> memref<1x128xi32, #tpu.memory_space<vmem>>
        %dma_start3A_496 = tpu.memref_squeeze %dma_start3A_495 : memref<1x128xi32, #tpu.memory_space<vmem>> -> memref<128xi32, #tpu.memory_space<vmem>>
        %dma_start3A_497 = arith.constant 0 : i32
        %dma_start3A_498 = arith.constant 0 : i32
        %dma_start3A_499 = tpu.memref_slice %arg8[%dma_start3A_497, %dma_start3A_498] : memref<50016x32xf32, #tpu.memory_space<vmem_shared>> -> memref<50016x32xf32, #tpu.memory_space<vmem_shared>>
        tpu.enqueue_indirect_dma source(%arg10 : memref<128x32xf32, #tpu.memory_space<vmem>>) target(%dma_start3A_499 : memref<50016x32xf32, #tpu.memory_space<vmem_shared>>) offsets(%dma_start3A_496 : memref<128xi32, #tpu.memory_space<vmem>>) semaphore(%arg25 : memref<!tpu.dma_semaphore, #tpu.memory_space<semaphore_mem>>) {add = true}
        %dma_start3A_500 = arith.constant 0 : i32
        %dma_start3A_501 = arith.constant 0 : i32
        %dma_start3A_502 = tpu.memref_slice %arg19[%dma_start3A_500, %dma_start3A_501] : memref<1x128xi32, #tpu.memory_space<vmem>> -> memref<1x128xi32, #tpu.memory_space<vmem>>
        %dma_start3A_503 = tpu.memref_squeeze %dma_start3A_502 : memref<1x128xi32, #tpu.memory_space<vmem>> -> memref<128xi32, #tpu.memory_space<vmem>>
        %dma_start3A_504 = arith.constant 0 : i32
        %dma_start3A_505 = arith.constant 0 : i32
        %dma_start3A_506 = tpu.memref_slice %arg8[%dma_start3A_504, %dma_start3A_505] : memref<50016x32xf32, #tpu.memory_space<vmem_shared>> -> memref<50016x32xf32, #tpu.memory_space<vmem_shared>>
        tpu.enqueue_indirect_dma source(%arg13 : memref<128x32xf32, #tpu.memory_space<vmem>>) target(%dma_start3A_506 : memref<50016x32xf32, #tpu.memory_space<vmem_shared>>) offsets(%dma_start3A_503 : memref<128xi32, #tpu.memory_space<vmem>>) semaphore(%arg25 : memref<!tpu.dma_semaphore, #tpu.memory_space<semaphore_mem>>) {add = true}
      } else {
      }
      %mul3A_88 = arith.constant 3 : i32
      %mul3A_89 = arith.muli %mul3A_88, %scan3A_69 : i32
      %add3A_90 = arith.constant 2 : i32
      %add3A_91 = arith.addi %mul3A_89, %add3A_90 : i32
      %lt3A_92 = arith.constant 800 : i32
      %lt3A_93 = arith.cmpi slt, %add3A_91, %lt3A_92 : i32
      %convert_element_type3A_94 = arith.extui %lt3A_93 : i1 to i32
      %cond3A_95 = arith.constant 0 : i32
      %cond3A_96 = arith.cmpi ne, %convert_element_type3A_94, %cond3A_95 : i32
      scf.if %cond3A_96 {
        %ge3A = arith.constant 2 : i32
        %ge3A_97 = arith.cmpi sge, %add3A_91, %ge3A : i32
        %convert_element_type3A_98 = arith.extui %ge3A_97 : i1 to i32
        %cond3A_99 = arith.constant 0 : i32
        %cond3A_100 = arith.cmpi ne, %convert_element_type3A_98, %cond3A_99 : i32
        scf.if %cond3A_100 {
          %dma_wait3A_507 = arith.constant 0 : i32
          %dma_wait3A_508 = arith.constant 0 : i32
          %dma_wait3A_509 = tpu.memref_slice %arg15[%dma_wait3A_507, %dma_wait3A_508] : memref<1x128xi32, #tpu.memory_space<vmem>> -> memref<1x128xi32, #tpu.memory_space<vmem>>
          %dma_wait3A_510 = tpu.memref_squeeze %dma_wait3A_509 : memref<1x128xi32, #tpu.memory_space<vmem>> -> memref<128xi32, #tpu.memory_space<vmem>>
          %dma_wait3A_511 = arith.constant 0 : i32
          %dma_wait3A_512 = arith.constant 0 : i32
          %dma_wait3A_513 = tpu.memref_slice %arg8[%dma_wait3A_511, %dma_wait3A_512] : memref<50016x32xf32, #tpu.memory_space<vmem_shared>> -> memref<50016x32xf32, #tpu.memory_space<vmem_shared>>
          tpu.wait_indirect_dma semaphore(%arg24 : memref<!tpu.dma_semaphore, #tpu.memory_space<semaphore_mem>>) src(%arg9 : memref<128x32xf32, #tpu.memory_space<vmem>>) dst(%dma_wait3A_513 : memref<50016x32xf32, #tpu.memory_space<vmem_shared>>)
          %dma_wait3A_514 = arith.constant 0 : i32
          %dma_wait3A_515 = arith.constant 0 : i32
          %dma_wait3A_516 = tpu.memref_slice %arg18[%dma_wait3A_514, %dma_wait3A_515] : memref<1x128xi32, #tpu.memory_space<vmem>> -> memref<1x128xi32, #tpu.memory_space<vmem>>
          %dma_wait3A_517 = tpu.memref_squeeze %dma_wait3A_516 : memref<1x128xi32, #tpu.memory_space<vmem>> -> memref<128xi32, #tpu.memory_space<vmem>>
          %dma_wait3A_518 = arith.constant 0 : i32
          %dma_wait3A_519 = arith.constant 0 : i32
          %dma_wait3A_520 = tpu.memref_slice %arg8[%dma_wait3A_518, %dma_wait3A_519] : memref<50016x32xf32, #tpu.memory_space<vmem_shared>> -> memref<50016x32xf32, #tpu.memory_space<vmem_shared>>
          tpu.wait_indirect_dma semaphore(%arg24 : memref<!tpu.dma_semaphore, #tpu.memory_space<semaphore_mem>>) src(%arg12 : memref<128x32xf32, #tpu.memory_space<vmem>>) dst(%dma_wait3A_520 : memref<50016x32xf32, #tpu.memory_space<vmem_shared>>)
        } else {
        }
        %add3A_101 = arith.constant 1 : i32
        %add3A_102 = arith.addi %add3A_91, %add3A_101 : i32
        %lt3A_103 = arith.constant 800 : i32
        %lt3A_104 = arith.cmpi slt, %add3A_102, %lt3A_103 : i32
        %convert_element_type3A_105 = arith.extui %lt3A_104 : i1 to i32
        %cond3A_106 = arith.constant 0 : i32
        %cond3A_107 = arith.cmpi ne, %convert_element_type3A_105, %cond3A_106 : i32
        scf.if %cond3A_107 {
          %add3A_507 = arith.constant 1 : i32
          %add3A_508 = arith.addi %add3A_91, %add3A_507 : i32
          %mul3A_509 = arith.constant 102400 : i32
          %mul3A_510 = arith.muli %arg1, %mul3A_509 : i32
          %mul3A_511 = arith.constant 128 : i32
          %mul3A_512 = arith.muli %add3A_508, %mul3A_511 : i32
          %add3A_513 = arith.addi %mul3A_510, %mul3A_512 : i32
          %mul3A_514 = arith.constant 800 : i32
          %mul3A_515 = arith.muli %arg1, %mul3A_514 : i32
          %add3A_516 = arith.addi %mul3A_515, %add3A_508 : i32
          %dma_start3A_517 = arith.constant 0 : i32
          %dma_start3A_518 = tpu.memref_slice %arg2[%add3A_513, %dma_start3A_517] : memref<1638400x32xf32, #tpu.memory_space<hbm>> -> memref<128x32xf32, #tpu.memory_space<hbm>>
          %dma_start3A_519 = arith.constant 0 : i32
          %dma_start3A_520 = tpu.memref_slice %arg2[%add3A_513, %dma_start3A_519] : memref<1638400x32xf32, #tpu.memory_space<hbm>> -> memref<128x32xf32, #tpu.memory_space<hbm>>
          tpu.enqueue_dma source(%dma_start3A_520 : memref<128x32xf32, #tpu.memory_space<hbm>>) target(%arg9 : memref<128x32xf32, #tpu.memory_space<vmem>>) target_semaphore(%arg21 : memref<!tpu.dma_semaphore, #tpu.memory_space<semaphore_mem>>)
          %dma_start3A_521 = arith.constant 0 : i32
          %dma_start3A_522 = tpu.memref_slice %arg3[%add3A_513, %dma_start3A_521] : memref<1638400x32xf32, #tpu.memory_space<hbm>> -> memref<128x32xf32, #tpu.memory_space<hbm>>
          %dma_start3A_523 = arith.constant 0 : i32
          %dma_start3A_524 = tpu.memref_slice %arg3[%add3A_513, %dma_start3A_523] : memref<1638400x32xf32, #tpu.memory_space<hbm>> -> memref<128x32xf32, #tpu.memory_space<hbm>>
          tpu.enqueue_dma source(%dma_start3A_524 : memref<128x32xf32, #tpu.memory_space<hbm>>) target(%arg12 : memref<128x32xf32, #tpu.memory_space<vmem>>) target_semaphore(%arg21 : memref<!tpu.dma_semaphore, #tpu.memory_space<semaphore_mem>>)
          %dma_start3A_525 = arith.constant 0 : i32
          %dma_start3A_526 = tpu.memref_slice %arg4[%add3A_516, %dma_start3A_525] : memref<12800x128xi32, #tpu.memory_space<hbm>> -> memref<1x128xi32, #tpu.memory_space<hbm>>
          %dma_start3A_527 = arith.constant 0 : i32
          %dma_start3A_528 = tpu.memref_slice %arg4[%add3A_516, %dma_start3A_527] : memref<12800x128xi32, #tpu.memory_space<hbm>> -> memref<1x128xi32, #tpu.memory_space<hbm>>
          tpu.enqueue_dma source(%dma_start3A_528 : memref<1x128xi32, #tpu.memory_space<hbm>>) target(%arg15 : memref<1x128xi32, #tpu.memory_space<vmem>>) target_semaphore(%arg21 : memref<!tpu.dma_semaphore, #tpu.memory_space<semaphore_mem>>)
          %dma_start3A_529 = arith.constant 0 : i32
          %dma_start3A_530 = tpu.memref_slice %arg5[%add3A_516, %dma_start3A_529] : memref<12800x128xi32, #tpu.memory_space<hbm>> -> memref<1x128xi32, #tpu.memory_space<hbm>>
          %dma_start3A_531 = arith.constant 0 : i32
          %dma_start3A_532 = tpu.memref_slice %arg5[%add3A_516, %dma_start3A_531] : memref<12800x128xi32, #tpu.memory_space<hbm>> -> memref<1x128xi32, #tpu.memory_space<hbm>>
          tpu.enqueue_dma source(%dma_start3A_532 : memref<1x128xi32, #tpu.memory_space<hbm>>) target(%arg18 : memref<1x128xi32, #tpu.memory_space<vmem>>) target_semaphore(%arg21 : memref<!tpu.dma_semaphore, #tpu.memory_space<semaphore_mem>>)
        } else {
        }
        %mul3A_108 = arith.constant 102400 : i32
        %mul3A_109 = arith.muli %arg1, %mul3A_108 : i32
        %mul3A_110 = arith.constant 128 : i32
        %mul3A_111 = arith.muli %add3A_91, %mul3A_110 : i32
        %add3A_112 = arith.addi %mul3A_109, %mul3A_111 : i32
        %mul3A_113 = arith.constant 800 : i32
        %mul3A_114 = arith.muli %arg1, %mul3A_113 : i32
        %add3A_115 = arith.addi %mul3A_114, %add3A_91 : i32
        %dma_wait3A_116 = arith.constant 0 : i32
        %dma_wait3A_117 = tpu.memref_slice %arg2[%add3A_112, %dma_wait3A_116] : memref<1638400x32xf32, #tpu.memory_space<hbm>> -> memref<128x32xf32, #tpu.memory_space<hbm>>
        %dma_wait3A_118 = arith.constant 0 : i32
        %dma_wait3A_119 = tpu.memref_slice %arg2[%add3A_112, %dma_wait3A_118] : memref<1638400x32xf32, #tpu.memory_space<hbm>> -> memref<128x32xf32, #tpu.memory_space<hbm>>
        tpu.wait_dma2 semaphore(%arg23 : memref<!tpu.dma_semaphore, #tpu.memory_space<semaphore_mem>>) src(%dma_wait3A_119 : memref<128x32xf32, #tpu.memory_space<hbm>>) dst(%arg11 : memref<128x32xf32, #tpu.memory_space<vmem>>)
        %dma_wait3A_120 = arith.constant 0 : i32
        %dma_wait3A_121 = tpu.memref_slice %arg3[%add3A_112, %dma_wait3A_120] : memref<1638400x32xf32, #tpu.memory_space<hbm>> -> memref<128x32xf32, #tpu.memory_space<hbm>>
        %dma_wait3A_122 = arith.constant 0 : i32
        %dma_wait3A_123 = tpu.memref_slice %arg3[%add3A_112, %dma_wait3A_122] : memref<1638400x32xf32, #tpu.memory_space<hbm>> -> memref<128x32xf32, #tpu.memory_space<hbm>>
        tpu.wait_dma2 semaphore(%arg23 : memref<!tpu.dma_semaphore, #tpu.memory_space<semaphore_mem>>) src(%dma_wait3A_123 : memref<128x32xf32, #tpu.memory_space<hbm>>) dst(%arg14 : memref<128x32xf32, #tpu.memory_space<vmem>>)
        %dma_wait3A_124 = arith.constant 0 : i32
        %dma_wait3A_125 = tpu.memref_slice %arg4[%add3A_115, %dma_wait3A_124] : memref<12800x128xi32, #tpu.memory_space<hbm>> -> memref<1x128xi32, #tpu.memory_space<hbm>>
        %dma_wait3A_126 = arith.constant 0 : i32
        %dma_wait3A_127 = tpu.memref_slice %arg4[%add3A_115, %dma_wait3A_126] : memref<12800x128xi32, #tpu.memory_space<hbm>> -> memref<1x128xi32, #tpu.memory_space<hbm>>
        tpu.wait_dma2 semaphore(%arg23 : memref<!tpu.dma_semaphore, #tpu.memory_space<semaphore_mem>>) src(%dma_wait3A_127 : memref<1x128xi32, #tpu.memory_space<hbm>>) dst(%arg17 : memref<1x128xi32, #tpu.memory_space<vmem>>)
        %dma_wait3A_128 = arith.constant 0 : i32
        %dma_wait3A_129 = tpu.memref_slice %arg5[%add3A_115, %dma_wait3A_128] : memref<12800x128xi32, #tpu.memory_space<hbm>> -> memref<1x128xi32, #tpu.memory_space<hbm>>
        %dma_wait3A_130 = arith.constant 0 : i32
        %dma_wait3A_131 = tpu.memref_slice %arg5[%add3A_115, %dma_wait3A_130] : memref<12800x128xi32, #tpu.memory_space<hbm>> -> memref<1x128xi32, #tpu.memory_space<hbm>>
        tpu.wait_dma2 semaphore(%arg23 : memref<!tpu.dma_semaphore, #tpu.memory_space<semaphore_mem>>) src(%dma_wait3A_131 : memref<1x128xi32, #tpu.memory_space<hbm>>) dst(%arg20 : memref<1x128xi32, #tpu.memory_space<vmem>>)
        %get3A = arith.constant 0 : i32
        %get3A_132 = arith.index_cast %get3A : i32 to index
        %get3A_133 = arith.constant 0 : index
        %get3A_134 = tpu.vector_load %arg17[%get3A_132, %get3A_133] {strides = array<i32>} : memref<1x128xi32, #tpu.memory_space<vmem>>, vector<1x16xi32>,
        %get3A_135 = vector.shape_cast %get3A_134 : vector<1x16xi32> to vector<16xi32>
        %sub3A = vector.broadcast %mul3A_2 : i32 to vector<16xi32>
        %sub3A_136 = arith.subi %get3A_135, %sub3A : vector<16xi32>
        %ge3A_137 = arith.constant 0 : i32
        %ge3A_138 = vector.broadcast %ge3A_137 : i32 to vector<16xi32>
        %ge3A_139 = arith.cmpi sge, %sub3A_136, %ge3A_138 : vector<16xi32>
        %lt3A_140 = arith.constant 50000 : i32
        %lt3A_141 = vector.broadcast %lt3A_140 : i32 to vector<16xi32>
        %lt3A_142 = arith.cmpi slt, %sub3A_136, %lt3A_141 : vector<16xi32>
        %and3A = arith.andi %ge3A_139, %lt3A_142 : vector<16xi1>
        %jit3A = arith.constant 50000 : i32
        %broadcast_in_dim3A = vector.broadcast %jit3A : i32 to vector<16xi32>
        %select_n3A = arith.select %and3A, %sub3A_136, %broadcast_in_dim3A : vector<16xi1>, vector<16xi32>
        %swap3A = arith.constant 0 : i32
        %swap3A_143 = arith.index_cast %swap3A : i32 to index
        %swap3A_144 = arith.constant 0 : index
        %swap3A_145 = tpu.vector_load %arg17[%swap3A_143, %swap3A_144] {strides = array<i32>} : memref<1x128xi32, #tpu.memory_space<vmem>>, vector<1x16xi32>,
        %swap3A_146 = vector.shape_cast %swap3A_145 : vector<1x16xi32> to vector<16xi32>
        %swap3A_147 = vector.shape_cast %select_n3A : vector<16xi32> to vector<1x16xi32>
        tpu.vector_store %arg17[%swap3A_143, %swap3A_144], %swap3A_147 {strides = array<i32>} : memref<1x128xi32, #tpu.memory_space<vmem>>, vector<1x16xi32>,
        %get3A_148 = arith.constant 0 : i32
        %get3A_149 = arith.index_cast %get3A_148 : i32 to index
        %get3A_150 = arith.constant 0 : index
        %get3A_151 = tpu.vector_load %arg20[%get3A_149, %get3A_150] {strides = array<i32>} : memref<1x128xi32, #tpu.memory_space<vmem>>, vector<1x16xi32>,
        %get3A_152 = vector.shape_cast %get3A_151 : vector<1x16xi32> to vector<16xi32>
        %sub3A_153 = vector.broadcast %mul3A_2 : i32 to vector<16xi32>
        %sub3A_154 = arith.subi %get3A_152, %sub3A_153 : vector<16xi32>
        %ge3A_155 = arith.constant 0 : i32
        %ge3A_156 = vector.broadcast %ge3A_155 : i32 to vector<16xi32>
        %ge3A_157 = arith.cmpi sge, %sub3A_154, %ge3A_156 : vector<16xi32>
        %lt3A_158 = arith.constant 50000 : i32
        %lt3A_159 = vector.broadcast %lt3A_158 : i32 to vector<16xi32>
        %lt3A_160 = arith.cmpi slt, %sub3A_154, %lt3A_159 : vector<16xi32>
        %and3A_161 = arith.andi %ge3A_157, %lt3A_160 : vector<16xi1>
        %jit3A_162 = arith.constant 50000 : i32
        %broadcast_in_dim3A_163 = vector.broadcast %jit3A_162 : i32 to vector<16xi32>
        %select_n3A_164 = arith.select %and3A_161, %sub3A_154, %broadcast_in_dim3A_163 : vector<16xi1>, vector<16xi32>
        %swap3A_165 = arith.constant 0 : i32
        %swap3A_166 = arith.index_cast %swap3A_165 : i32 to index
        %swap3A_167 = arith.constant 0 : index
        %swap3A_168 = tpu.vector_load %arg20[%swap3A_166, %swap3A_167] {strides = array<i32>} : memref<1x128xi32, #tpu.memory_space<vmem>>, vector<1x16xi32>,
        %swap3A_169 = vector.shape_cast %swap3A_168 : vector<1x16xi32> to vector<16xi32>
        %swap3A_170 = vector.shape_cast %select_n3A_164 : vector<16xi32> to vector<1x16xi32>
        tpu.vector_store %arg20[%swap3A_166, %swap3A_167], %swap3A_170 {strides = array<i32>} : memref<1x128xi32, #tpu.memory_space<vmem>>, vector<1x16xi32>,
        %get3A_171 = arith.constant 0 : i32
        %get3A_172 = arith.index_cast %get3A_171 : i32 to index
        %get3A_173 = arith.constant 16 : index
        %get3A_174 = tpu.vector_load %arg17[%get3A_172, %get3A_173] {strides = array<i32>} : memref<1x128xi32, #tpu.memory_space<vmem>>, vector<1x16xi32>,
        %get3A_175 = vector.shape_cast %get3A_174 : vector<1x16xi32> to vector<16xi32>
        %sub3A_176 = vector.broadcast %mul3A_2 : i32 to vector<16xi32>
        %sub3A_177 = arith.subi %get3A_175, %sub3A_176 : vector<16xi32>
        %ge3A_178 = arith.constant 0 : i32
        %ge3A_179 = vector.broadcast %ge3A_178 : i32 to vector<16xi32>
        %ge3A_180 = arith.cmpi sge, %sub3A_177, %ge3A_179 : vector<16xi32>
        %lt3A_181 = arith.constant 50000 : i32
        %lt3A_182 = vector.broadcast %lt3A_181 : i32 to vector<16xi32>
        %lt3A_183 = arith.cmpi slt, %sub3A_177, %lt3A_182 : vector<16xi32>
        %and3A_184 = arith.andi %ge3A_180, %lt3A_183 : vector<16xi1>
        %jit3A_185 = arith.constant 50000 : i32
        %broadcast_in_dim3A_186 = vector.broadcast %jit3A_185 : i32 to vector<16xi32>
        %select_n3A_187 = arith.select %and3A_184, %sub3A_177, %broadcast_in_dim3A_186 : vector<16xi1>, vector<16xi32>
        %swap3A_188 = arith.constant 0 : i32
        %swap3A_189 = arith.index_cast %swap3A_188 : i32 to index
        %swap3A_190 = arith.constant 16 : index
        %swap3A_191 = tpu.vector_load %arg17[%swap3A_189, %swap3A_190] {strides = array<i32>} : memref<1x128xi32, #tpu.memory_space<vmem>>, vector<1x16xi32>,
        %swap3A_192 = vector.shape_cast %swap3A_191 : vector<1x16xi32> to vector<16xi32>
        %swap3A_193 = vector.shape_cast %select_n3A_187 : vector<16xi32> to vector<1x16xi32>
        tpu.vector_store %arg17[%swap3A_189, %swap3A_190], %swap3A_193 {strides = array<i32>} : memref<1x128xi32, #tpu.memory_space<vmem>>, vector<1x16xi32>,
        %get3A_194 = arith.constant 0 : i32
        %get3A_195 = arith.index_cast %get3A_194 : i32 to index
        %get3A_196 = arith.constant 16 : index
        %get3A_197 = tpu.vector_load %arg20[%get3A_195, %get3A_196] {strides = array<i32>} : memref<1x128xi32, #tpu.memory_space<vmem>>, vector<1x16xi32>,
        %get3A_198 = vector.shape_cast %get3A_197 : vector<1x16xi32> to vector<16xi32>
        %sub3A_199 = vector.broadcast %mul3A_2 : i32 to vector<16xi32>
        %sub3A_200 = arith.subi %get3A_198, %sub3A_199 : vector<16xi32>
        %ge3A_201 = arith.constant 0 : i32
        %ge3A_202 = vector.broadcast %ge3A_201 : i32 to vector<16xi32>
        %ge3A_203 = arith.cmpi sge, %sub3A_200, %ge3A_202 : vector<16xi32>
        %lt3A_204 = arith.constant 50000 : i32
        %lt3A_205 = vector.broadcast %lt3A_204 : i32 to vector<16xi32>
        %lt3A_206 = arith.cmpi slt, %sub3A_200, %lt3A_205 : vector<16xi32>
        %and3A_207 = arith.andi %ge3A_203, %lt3A_206 : vector<16xi1>
        %jit3A_208 = arith.constant 50000 : i32
        %broadcast_in_dim3A_209 = vector.broadcast %jit3A_208 : i32 to vector<16xi32>
        %select_n3A_210 = arith.select %and3A_207, %sub3A_200, %broadcast_in_dim3A_209 : vector<16xi1>, vector<16xi32>
        %swap3A_211 = arith.constant 0 : i32
        %swap3A_212 = arith.index_cast %swap3A_211 : i32 to index
        %swap3A_213 = arith.constant 16 : index
        %swap3A_214 = tpu.vector_load %arg20[%swap3A_212, %swap3A_213] {strides = array<i32>} : memref<1x128xi32, #tpu.memory_space<vmem>>, vector<1x16xi32>,
        %swap3A_215 = vector.shape_cast %swap3A_214 : vector<1x16xi32> to vector<16xi32>
        %swap3A_216 = vector.shape_cast %select_n3A_210 : vector<16xi32> to vector<1x16xi32>
        tpu.vector_store %arg20[%swap3A_212, %swap3A_213], %swap3A_216 {strides = array<i32>} : memref<1x128xi32, #tpu.memory_space<vmem>>, vector<1x16xi32>,
        %get3A_217 = arith.constant 0 : i32
        %get3A_218 = arith.index_cast %get3A_217 : i32 to index
        %get3A_219 = arith.constant 32 : index
        %get3A_220 = tpu.vector_load %arg17[%get3A_218, %get3A_219] {strides = array<i32>} : memref<1x128xi32, #tpu.memory_space<vmem>>, vector<1x16xi32>,
        %get3A_221 = vector.shape_cast %get3A_220 : vector<1x16xi32> to vector<16xi32>
        %sub3A_222 = vector.broadcast %mul3A_2 : i32 to vector<16xi32>
        %sub3A_223 = arith.subi %get3A_221, %sub3A_222 : vector<16xi32>
        %ge3A_224 = arith.constant 0 : i32
        %ge3A_225 = vector.broadcast %ge3A_224 : i32 to vector<16xi32>
        %ge3A_226 = arith.cmpi sge, %sub3A_223, %ge3A_225 : vector<16xi32>
        %lt3A_227 = arith.constant 50000 : i32
        %lt3A_228 = vector.broadcast %lt3A_227 : i32 to vector<16xi32>
        %lt3A_229 = arith.cmpi slt, %sub3A_223, %lt3A_228 : vector<16xi32>
        %and3A_230 = arith.andi %ge3A_226, %lt3A_229 : vector<16xi1>
        %jit3A_231 = arith.constant 50000 : i32
        %broadcast_in_dim3A_232 = vector.broadcast %jit3A_231 : i32 to vector<16xi32>
        %select_n3A_233 = arith.select %and3A_230, %sub3A_223, %broadcast_in_dim3A_232 : vector<16xi1>, vector<16xi32>
        %swap3A_234 = arith.constant 0 : i32
        %swap3A_235 = arith.index_cast %swap3A_234 : i32 to index
        %swap3A_236 = arith.constant 32 : index
        %swap3A_237 = tpu.vector_load %arg17[%swap3A_235, %swap3A_236] {strides = array<i32>} : memref<1x128xi32, #tpu.memory_space<vmem>>, vector<1x16xi32>,
        %swap3A_238 = vector.shape_cast %swap3A_237 : vector<1x16xi32> to vector<16xi32>
        %swap3A_239 = vector.shape_cast %select_n3A_233 : vector<16xi32> to vector<1x16xi32>
        tpu.vector_store %arg17[%swap3A_235, %swap3A_236], %swap3A_239 {strides = array<i32>} : memref<1x128xi32, #tpu.memory_space<vmem>>, vector<1x16xi32>,
        %get3A_240 = arith.constant 0 : i32
        %get3A_241 = arith.index_cast %get3A_240 : i32 to index
        %get3A_242 = arith.constant 32 : index
        %get3A_243 = tpu.vector_load %arg20[%get3A_241, %get3A_242] {strides = array<i32>} : memref<1x128xi32, #tpu.memory_space<vmem>>, vector<1x16xi32>,
        %get3A_244 = vector.shape_cast %get3A_243 : vector<1x16xi32> to vector<16xi32>
        %sub3A_245 = vector.broadcast %mul3A_2 : i32 to vector<16xi32>
        %sub3A_246 = arith.subi %get3A_244, %sub3A_245 : vector<16xi32>
        %ge3A_247 = arith.constant 0 : i32
        %ge3A_248 = vector.broadcast %ge3A_247 : i32 to vector<16xi32>
        %ge3A_249 = arith.cmpi sge, %sub3A_246, %ge3A_248 : vector<16xi32>
        %lt3A_250 = arith.constant 50000 : i32
        %lt3A_251 = vector.broadcast %lt3A_250 : i32 to vector<16xi32>
        %lt3A_252 = arith.cmpi slt, %sub3A_246, %lt3A_251 : vector<16xi32>
        %and3A_253 = arith.andi %ge3A_249, %lt3A_252 : vector<16xi1>
        %jit3A_254 = arith.constant 50000 : i32
        %broadcast_in_dim3A_255 = vector.broadcast %jit3A_254 : i32 to vector<16xi32>
        %select_n3A_256 = arith.select %and3A_253, %sub3A_246, %broadcast_in_dim3A_255 : vector<16xi1>, vector<16xi32>
        %swap3A_257 = arith.constant 0 : i32
        %swap3A_258 = arith.index_cast %swap3A_257 : i32 to index
        %swap3A_259 = arith.constant 32 : index
        %swap3A_260 = tpu.vector_load %arg20[%swap3A_258, %swap3A_259] {strides = array<i32>} : memref<1x128xi32, #tpu.memory_space<vmem>>, vector<1x16xi32>,
        %swap3A_261 = vector.shape_cast %swap3A_260 : vector<1x16xi32> to vector<16xi32>
        %swap3A_262 = vector.shape_cast %select_n3A_256 : vector<16xi32> to vector<1x16xi32>
        tpu.vector_store %arg20[%swap3A_258, %swap3A_259], %swap3A_262 {strides = array<i32>} : memref<1x128xi32, #tpu.memory_space<vmem>>, vector<1x16xi32>,
        %get3A_263 = arith.constant 0 : i32
        %get3A_264 = arith.index_cast %get3A_263 : i32 to index
        %get3A_265 = arith.constant 48 : index
        %get3A_266 = tpu.vector_load %arg17[%get3A_264, %get3A_265] {strides = array<i32>} : memref<1x128xi32, #tpu.memory_space<vmem>>, vector<1x16xi32>,
        %get3A_267 = vector.shape_cast %get3A_266 : vector<1x16xi32> to vector<16xi32>
        %sub3A_268 = vector.broadcast %mul3A_2 : i32 to vector<16xi32>
        %sub3A_269 = arith.subi %get3A_267, %sub3A_268 : vector<16xi32>
        %ge3A_270 = arith.constant 0 : i32
        %ge3A_271 = vector.broadcast %ge3A_270 : i32 to vector<16xi32>
        %ge3A_272 = arith.cmpi sge, %sub3A_269, %ge3A_271 : vector<16xi32>
        %lt3A_273 = arith.constant 50000 : i32
        %lt3A_274 = vector.broadcast %lt3A_273 : i32 to vector<16xi32>
        %lt3A_275 = arith.cmpi slt, %sub3A_269, %lt3A_274 : vector<16xi32>
        %and3A_276 = arith.andi %ge3A_272, %lt3A_275 : vector<16xi1>
        %jit3A_277 = arith.constant 50000 : i32
        %broadcast_in_dim3A_278 = vector.broadcast %jit3A_277 : i32 to vector<16xi32>
        %select_n3A_279 = arith.select %and3A_276, %sub3A_269, %broadcast_in_dim3A_278 : vector<16xi1>, vector<16xi32>
        %swap3A_280 = arith.constant 0 : i32
        %swap3A_281 = arith.index_cast %swap3A_280 : i32 to index
        %swap3A_282 = arith.constant 48 : index
        %swap3A_283 = tpu.vector_load %arg17[%swap3A_281, %swap3A_282] {strides = array<i32>} : memref<1x128xi32, #tpu.memory_space<vmem>>, vector<1x16xi32>,
        %swap3A_284 = vector.shape_cast %swap3A_283 : vector<1x16xi32> to vector<16xi32>
        %swap3A_285 = vector.shape_cast %select_n3A_279 : vector<16xi32> to vector<1x16xi32>
        tpu.vector_store %arg17[%swap3A_281, %swap3A_282], %swap3A_285 {strides = array<i32>} : memref<1x128xi32, #tpu.memory_space<vmem>>, vector<1x16xi32>,
        %get3A_286 = arith.constant 0 : i32
        %get3A_287 = arith.index_cast %get3A_286 : i32 to index
        %get3A_288 = arith.constant 48 : index
        %get3A_289 = tpu.vector_load %arg20[%get3A_287, %get3A_288] {strides = array<i32>} : memref<1x128xi32, #tpu.memory_space<vmem>>, vector<1x16xi32>,
        %get3A_290 = vector.shape_cast %get3A_289 : vector<1x16xi32> to vector<16xi32>
        %sub3A_291 = vector.broadcast %mul3A_2 : i32 to vector<16xi32>
        %sub3A_292 = arith.subi %get3A_290, %sub3A_291 : vector<16xi32>
        %ge3A_293 = arith.constant 0 : i32
        %ge3A_294 = vector.broadcast %ge3A_293 : i32 to vector<16xi32>
        %ge3A_295 = arith.cmpi sge, %sub3A_292, %ge3A_294 : vector<16xi32>
        %lt3A_296 = arith.constant 50000 : i32
        %lt3A_297 = vector.broadcast %lt3A_296 : i32 to vector<16xi32>
        %lt3A_298 = arith.cmpi slt, %sub3A_292, %lt3A_297 : vector<16xi32>
        %and3A_299 = arith.andi %ge3A_295, %lt3A_298 : vector<16xi1>
        %jit3A_300 = arith.constant 50000 : i32
        %broadcast_in_dim3A_301 = vector.broadcast %jit3A_300 : i32 to vector<16xi32>
        %select_n3A_302 = arith.select %and3A_299, %sub3A_292, %broadcast_in_dim3A_301 : vector<16xi1>, vector<16xi32>
        %swap3A_303 = arith.constant 0 : i32
        %swap3A_304 = arith.index_cast %swap3A_303 : i32 to index
        %swap3A_305 = arith.constant 48 : index
        %swap3A_306 = tpu.vector_load %arg20[%swap3A_304, %swap3A_305] {strides = array<i32>} : memref<1x128xi32, #tpu.memory_space<vmem>>, vector<1x16xi32>,
        %swap3A_307 = vector.shape_cast %swap3A_306 : vector<1x16xi32> to vector<16xi32>
        %swap3A_308 = vector.shape_cast %select_n3A_302 : vector<16xi32> to vector<1x16xi32>
        tpu.vector_store %arg20[%swap3A_304, %swap3A_305], %swap3A_308 {strides = array<i32>} : memref<1x128xi32, #tpu.memory_space<vmem>>, vector<1x16xi32>,
        %get3A_309 = arith.constant 0 : i32
        %get3A_310 = arith.index_cast %get3A_309 : i32 to index
        %get3A_311 = arith.constant 64 : index
        %get3A_312 = tpu.vector_load %arg17[%get3A_310, %get3A_311] {strides = array<i32>} : memref<1x128xi32, #tpu.memory_space<vmem>>, vector<1x16xi32>,
        %get3A_313 = vector.shape_cast %get3A_312 : vector<1x16xi32> to vector<16xi32>
        %sub3A_314 = vector.broadcast %mul3A_2 : i32 to vector<16xi32>
        %sub3A_315 = arith.subi %get3A_313, %sub3A_314 : vector<16xi32>
        %ge3A_316 = arith.constant 0 : i32
        %ge3A_317 = vector.broadcast %ge3A_316 : i32 to vector<16xi32>
        %ge3A_318 = arith.cmpi sge, %sub3A_315, %ge3A_317 : vector<16xi32>
        %lt3A_319 = arith.constant 50000 : i32
        %lt3A_320 = vector.broadcast %lt3A_319 : i32 to vector<16xi32>
        %lt3A_321 = arith.cmpi slt, %sub3A_315, %lt3A_320 : vector<16xi32>
        %and3A_322 = arith.andi %ge3A_318, %lt3A_321 : vector<16xi1>
        %jit3A_323 = arith.constant 50000 : i32
        %broadcast_in_dim3A_324 = vector.broadcast %jit3A_323 : i32 to vector<16xi32>
        %select_n3A_325 = arith.select %and3A_322, %sub3A_315, %broadcast_in_dim3A_324 : vector<16xi1>, vector<16xi32>
        %swap3A_326 = arith.constant 0 : i32
        %swap3A_327 = arith.index_cast %swap3A_326 : i32 to index
        %swap3A_328 = arith.constant 64 : index
        %swap3A_329 = tpu.vector_load %arg17[%swap3A_327, %swap3A_328] {strides = array<i32>} : memref<1x128xi32, #tpu.memory_space<vmem>>, vector<1x16xi32>,
        %swap3A_330 = vector.shape_cast %swap3A_329 : vector<1x16xi32> to vector<16xi32>
        %swap3A_331 = vector.shape_cast %select_n3A_325 : vector<16xi32> to vector<1x16xi32>
        tpu.vector_store %arg17[%swap3A_327, %swap3A_328], %swap3A_331 {strides = array<i32>} : memref<1x128xi32, #tpu.memory_space<vmem>>, vector<1x16xi32>,
        %get3A_332 = arith.constant 0 : i32
        %get3A_333 = arith.index_cast %get3A_332 : i32 to index
        %get3A_334 = arith.constant 64 : index
        %get3A_335 = tpu.vector_load %arg20[%get3A_333, %get3A_334] {strides = array<i32>} : memref<1x128xi32, #tpu.memory_space<vmem>>, vector<1x16xi32>,
        %get3A_336 = vector.shape_cast %get3A_335 : vector<1x16xi32> to vector<16xi32>
        %sub3A_337 = vector.broadcast %mul3A_2 : i32 to vector<16xi32>
        %sub3A_338 = arith.subi %get3A_336, %sub3A_337 : vector<16xi32>
        %ge3A_339 = arith.constant 0 : i32
        %ge3A_340 = vector.broadcast %ge3A_339 : i32 to vector<16xi32>
        %ge3A_341 = arith.cmpi sge, %sub3A_338, %ge3A_340 : vector<16xi32>
        %lt3A_342 = arith.constant 50000 : i32
        %lt3A_343 = vector.broadcast %lt3A_342 : i32 to vector<16xi32>
        %lt3A_344 = arith.cmpi slt, %sub3A_338, %lt3A_343 : vector<16xi32>
        %and3A_345 = arith.andi %ge3A_341, %lt3A_344 : vector<16xi1>
        %jit3A_346 = arith.constant 50000 : i32
        %broadcast_in_dim3A_347 = vector.broadcast %jit3A_346 : i32 to vector<16xi32>
        %select_n3A_348 = arith.select %and3A_345, %sub3A_338, %broadcast_in_dim3A_347 : vector<16xi1>, vector<16xi32>
        %swap3A_349 = arith.constant 0 : i32
        %swap3A_350 = arith.index_cast %swap3A_349 : i32 to index
        %swap3A_351 = arith.constant 64 : index
        %swap3A_352 = tpu.vector_load %arg20[%swap3A_350, %swap3A_351] {strides = array<i32>} : memref<1x128xi32, #tpu.memory_space<vmem>>, vector<1x16xi32>,
        %swap3A_353 = vector.shape_cast %swap3A_352 : vector<1x16xi32> to vector<16xi32>
        %swap3A_354 = vector.shape_cast %select_n3A_348 : vector<16xi32> to vector<1x16xi32>
        tpu.vector_store %arg20[%swap3A_350, %swap3A_351], %swap3A_354 {strides = array<i32>} : memref<1x128xi32, #tpu.memory_space<vmem>>, vector<1x16xi32>,
        %get3A_355 = arith.constant 0 : i32
        %get3A_356 = arith.index_cast %get3A_355 : i32 to index
        %get3A_357 = arith.constant 80 : index
        %get3A_358 = tpu.vector_load %arg17[%get3A_356, %get3A_357] {strides = array<i32>} : memref<1x128xi32, #tpu.memory_space<vmem>>, vector<1x16xi32>,
        %get3A_359 = vector.shape_cast %get3A_358 : vector<1x16xi32> to vector<16xi32>
        %sub3A_360 = vector.broadcast %mul3A_2 : i32 to vector<16xi32>
        %sub3A_361 = arith.subi %get3A_359, %sub3A_360 : vector<16xi32>
        %ge3A_362 = arith.constant 0 : i32
        %ge3A_363 = vector.broadcast %ge3A_362 : i32 to vector<16xi32>
        %ge3A_364 = arith.cmpi sge, %sub3A_361, %ge3A_363 : vector<16xi32>
        %lt3A_365 = arith.constant 50000 : i32
        %lt3A_366 = vector.broadcast %lt3A_365 : i32 to vector<16xi32>
        %lt3A_367 = arith.cmpi slt, %sub3A_361, %lt3A_366 : vector<16xi32>
        %and3A_368 = arith.andi %ge3A_364, %lt3A_367 : vector<16xi1>
        %jit3A_369 = arith.constant 50000 : i32
        %broadcast_in_dim3A_370 = vector.broadcast %jit3A_369 : i32 to vector<16xi32>
        %select_n3A_371 = arith.select %and3A_368, %sub3A_361, %broadcast_in_dim3A_370 : vector<16xi1>, vector<16xi32>
        %swap3A_372 = arith.constant 0 : i32
        %swap3A_373 = arith.index_cast %swap3A_372 : i32 to index
        %swap3A_374 = arith.constant 80 : index
        %swap3A_375 = tpu.vector_load %arg17[%swap3A_373, %swap3A_374] {strides = array<i32>} : memref<1x128xi32, #tpu.memory_space<vmem>>, vector<1x16xi32>,
        %swap3A_376 = vector.shape_cast %swap3A_375 : vector<1x16xi32> to vector<16xi32>
        %swap3A_377 = vector.shape_cast %select_n3A_371 : vector<16xi32> to vector<1x16xi32>
        tpu.vector_store %arg17[%swap3A_373, %swap3A_374], %swap3A_377 {strides = array<i32>} : memref<1x128xi32, #tpu.memory_space<vmem>>, vector<1x16xi32>,
        %get3A_378 = arith.constant 0 : i32
        %get3A_379 = arith.index_cast %get3A_378 : i32 to index
        %get3A_380 = arith.constant 80 : index
        %get3A_381 = tpu.vector_load %arg20[%get3A_379, %get3A_380] {strides = array<i32>} : memref<1x128xi32, #tpu.memory_space<vmem>>, vector<1x16xi32>,
        %get3A_382 = vector.shape_cast %get3A_381 : vector<1x16xi32> to vector<16xi32>
        %sub3A_383 = vector.broadcast %mul3A_2 : i32 to vector<16xi32>
        %sub3A_384 = arith.subi %get3A_382, %sub3A_383 : vector<16xi32>
        %ge3A_385 = arith.constant 0 : i32
        %ge3A_386 = vector.broadcast %ge3A_385 : i32 to vector<16xi32>
        %ge3A_387 = arith.cmpi sge, %sub3A_384, %ge3A_386 : vector<16xi32>
        %lt3A_388 = arith.constant 50000 : i32
        %lt3A_389 = vector.broadcast %lt3A_388 : i32 to vector<16xi32>
        %lt3A_390 = arith.cmpi slt, %sub3A_384, %lt3A_389 : vector<16xi32>
        %and3A_391 = arith.andi %ge3A_387, %lt3A_390 : vector<16xi1>
        %jit3A_392 = arith.constant 50000 : i32
        %broadcast_in_dim3A_393 = vector.broadcast %jit3A_392 : i32 to vector<16xi32>
        %select_n3A_394 = arith.select %and3A_391, %sub3A_384, %broadcast_in_dim3A_393 : vector<16xi1>, vector<16xi32>
        %swap3A_395 = arith.constant 0 : i32
        %swap3A_396 = arith.index_cast %swap3A_395 : i32 to index
        %swap3A_397 = arith.constant 80 : index
        %swap3A_398 = tpu.vector_load %arg20[%swap3A_396, %swap3A_397] {strides = array<i32>} : memref<1x128xi32, #tpu.memory_space<vmem>>, vector<1x16xi32>,
        %swap3A_399 = vector.shape_cast %swap3A_398 : vector<1x16xi32> to vector<16xi32>
        %swap3A_400 = vector.shape_cast %select_n3A_394 : vector<16xi32> to vector<1x16xi32>
        tpu.vector_store %arg20[%swap3A_396, %swap3A_397], %swap3A_400 {strides = array<i32>} : memref<1x128xi32, #tpu.memory_space<vmem>>, vector<1x16xi32>,
        %get3A_401 = arith.constant 0 : i32
        %get3A_402 = arith.index_cast %get3A_401 : i32 to index
        %get3A_403 = arith.constant 96 : index
        %get3A_404 = tpu.vector_load %arg17[%get3A_402, %get3A_403] {strides = array<i32>} : memref<1x128xi32, #tpu.memory_space<vmem>>, vector<1x16xi32>,
        %get3A_405 = vector.shape_cast %get3A_404 : vector<1x16xi32> to vector<16xi32>
        %sub3A_406 = vector.broadcast %mul3A_2 : i32 to vector<16xi32>
        %sub3A_407 = arith.subi %get3A_405, %sub3A_406 : vector<16xi32>
        %ge3A_408 = arith.constant 0 : i32
        %ge3A_409 = vector.broadcast %ge3A_408 : i32 to vector<16xi32>
        %ge3A_410 = arith.cmpi sge, %sub3A_407, %ge3A_409 : vector<16xi32>
        %lt3A_411 = arith.constant 50000 : i32
        %lt3A_412 = vector.broadcast %lt3A_411 : i32 to vector<16xi32>
        %lt3A_413 = arith.cmpi slt, %sub3A_407, %lt3A_412 : vector<16xi32>
        %and3A_414 = arith.andi %ge3A_410, %lt3A_413 : vector<16xi1>
        %jit3A_415 = arith.constant 50000 : i32
        %broadcast_in_dim3A_416 = vector.broadcast %jit3A_415 : i32 to vector<16xi32>
        %select_n3A_417 = arith.select %and3A_414, %sub3A_407, %broadcast_in_dim3A_416 : vector<16xi1>, vector<16xi32>
        %swap3A_418 = arith.constant 0 : i32
        %swap3A_419 = arith.index_cast %swap3A_418 : i32 to index
        %swap3A_420 = arith.constant 96 : index
        %swap3A_421 = tpu.vector_load %arg17[%swap3A_419, %swap3A_420] {strides = array<i32>} : memref<1x128xi32, #tpu.memory_space<vmem>>, vector<1x16xi32>,
        %swap3A_422 = vector.shape_cast %swap3A_421 : vector<1x16xi32> to vector<16xi32>
        %swap3A_423 = vector.shape_cast %select_n3A_417 : vector<16xi32> to vector<1x16xi32>
        tpu.vector_store %arg17[%swap3A_419, %swap3A_420], %swap3A_423 {strides = array<i32>} : memref<1x128xi32, #tpu.memory_space<vmem>>, vector<1x16xi32>,
        %get3A_424 = arith.constant 0 : i32
        %get3A_425 = arith.index_cast %get3A_424 : i32 to index
        %get3A_426 = arith.constant 96 : index
        %get3A_427 = tpu.vector_load %arg20[%get3A_425, %get3A_426] {strides = array<i32>} : memref<1x128xi32, #tpu.memory_space<vmem>>, vector<1x16xi32>,
        %get3A_428 = vector.shape_cast %get3A_427 : vector<1x16xi32> to vector<16xi32>
        %sub3A_429 = vector.broadcast %mul3A_2 : i32 to vector<16xi32>
        %sub3A_430 = arith.subi %get3A_428, %sub3A_429 : vector<16xi32>
        %ge3A_431 = arith.constant 0 : i32
        %ge3A_432 = vector.broadcast %ge3A_431 : i32 to vector<16xi32>
        %ge3A_433 = arith.cmpi sge, %sub3A_430, %ge3A_432 : vector<16xi32>
        %lt3A_434 = arith.constant 50000 : i32
        %lt3A_435 = vector.broadcast %lt3A_434 : i32 to vector<16xi32>
        %lt3A_436 = arith.cmpi slt, %sub3A_430, %lt3A_435 : vector<16xi32>
        %and3A_437 = arith.andi %ge3A_433, %lt3A_436 : vector<16xi1>
        %jit3A_438 = arith.constant 50000 : i32
        %broadcast_in_dim3A_439 = vector.broadcast %jit3A_438 : i32 to vector<16xi32>
        %select_n3A_440 = arith.select %and3A_437, %sub3A_430, %broadcast_in_dim3A_439 : vector<16xi1>, vector<16xi32>
        %swap3A_441 = arith.constant 0 : i32
        %swap3A_442 = arith.index_cast %swap3A_441 : i32 to index
        %swap3A_443 = arith.constant 96 : index
        %swap3A_444 = tpu.vector_load %arg20[%swap3A_442, %swap3A_443] {strides = array<i32>} : memref<1x128xi32, #tpu.memory_space<vmem>>, vector<1x16xi32>,
        %swap3A_445 = vector.shape_cast %swap3A_444 : vector<1x16xi32> to vector<16xi32>
        %swap3A_446 = vector.shape_cast %select_n3A_440 : vector<16xi32> to vector<1x16xi32>
        tpu.vector_store %arg20[%swap3A_442, %swap3A_443], %swap3A_446 {strides = array<i32>} : memref<1x128xi32, #tpu.memory_space<vmem>>, vector<1x16xi32>,
        %get3A_447 = arith.constant 0 : i32
        %get3A_448 = arith.index_cast %get3A_447 : i32 to index
        %get3A_449 = arith.constant 112 : index
        %get3A_450 = tpu.vector_load %arg17[%get3A_448, %get3A_449] {strides = array<i32>} : memref<1x128xi32, #tpu.memory_space<vmem>>, vector<1x16xi32>,
        %get3A_451 = vector.shape_cast %get3A_450 : vector<1x16xi32> to vector<16xi32>
        %sub3A_452 = vector.broadcast %mul3A_2 : i32 to vector<16xi32>
        %sub3A_453 = arith.subi %get3A_451, %sub3A_452 : vector<16xi32>
        %ge3A_454 = arith.constant 0 : i32
        %ge3A_455 = vector.broadcast %ge3A_454 : i32 to vector<16xi32>
        %ge3A_456 = arith.cmpi sge, %sub3A_453, %ge3A_455 : vector<16xi32>
        %lt3A_457 = arith.constant 50000 : i32
        %lt3A_458 = vector.broadcast %lt3A_457 : i32 to vector<16xi32>
        %lt3A_459 = arith.cmpi slt, %sub3A_453, %lt3A_458 : vector<16xi32>
        %and3A_460 = arith.andi %ge3A_456, %lt3A_459 : vector<16xi1>
        %jit3A_461 = arith.constant 50000 : i32
        %broadcast_in_dim3A_462 = vector.broadcast %jit3A_461 : i32 to vector<16xi32>
        %select_n3A_463 = arith.select %and3A_460, %sub3A_453, %broadcast_in_dim3A_462 : vector<16xi1>, vector<16xi32>
        %swap3A_464 = arith.constant 0 : i32
        %swap3A_465 = arith.index_cast %swap3A_464 : i32 to index
        %swap3A_466 = arith.constant 112 : index
        %swap3A_467 = tpu.vector_load %arg17[%swap3A_465, %swap3A_466] {strides = array<i32>} : memref<1x128xi32, #tpu.memory_space<vmem>>, vector<1x16xi32>,
        %swap3A_468 = vector.shape_cast %swap3A_467 : vector<1x16xi32> to vector<16xi32>
        %swap3A_469 = vector.shape_cast %select_n3A_463 : vector<16xi32> to vector<1x16xi32>
        tpu.vector_store %arg17[%swap3A_465, %swap3A_466], %swap3A_469 {strides = array<i32>} : memref<1x128xi32, #tpu.memory_space<vmem>>, vector<1x16xi32>,
        %get3A_470 = arith.constant 0 : i32
        %get3A_471 = arith.index_cast %get3A_470 : i32 to index
        %get3A_472 = arith.constant 112 : index
        %get3A_473 = tpu.vector_load %arg20[%get3A_471, %get3A_472] {strides = array<i32>} : memref<1x128xi32, #tpu.memory_space<vmem>>, vector<1x16xi32>,
        %get3A_474 = vector.shape_cast %get3A_473 : vector<1x16xi32> to vector<16xi32>
        %sub3A_475 = vector.broadcast %mul3A_2 : i32 to vector<16xi32>
        %sub3A_476 = arith.subi %get3A_474, %sub3A_475 : vector<16xi32>
        %ge3A_477 = arith.constant 0 : i32
        %ge3A_478 = vector.broadcast %ge3A_477 : i32 to vector<16xi32>
        %ge3A_479 = arith.cmpi sge, %sub3A_476, %ge3A_478 : vector<16xi32>
        %lt3A_480 = arith.constant 50000 : i32
        %lt3A_481 = vector.broadcast %lt3A_480 : i32 to vector<16xi32>
        %lt3A_482 = arith.cmpi slt, %sub3A_476, %lt3A_481 : vector<16xi32>
        %and3A_483 = arith.andi %ge3A_479, %lt3A_482 : vector<16xi1>
        %jit3A_484 = arith.constant 50000 : i32
        %broadcast_in_dim3A_485 = vector.broadcast %jit3A_484 : i32 to vector<16xi32>
        %select_n3A_486 = arith.select %and3A_483, %sub3A_476, %broadcast_in_dim3A_485 : vector<16xi1>, vector<16xi32>
        %swap3A_487 = arith.constant 0 : i32
        %swap3A_488 = arith.index_cast %swap3A_487 : i32 to index
        %swap3A_489 = arith.constant 112 : index
        %swap3A_490 = tpu.vector_load %arg20[%swap3A_488, %swap3A_489] {strides = array<i32>} : memref<1x128xi32, #tpu.memory_space<vmem>>, vector<1x16xi32>,
        %swap3A_491 = vector.shape_cast %swap3A_490 : vector<1x16xi32> to vector<16xi32>
        %swap3A_492 = vector.shape_cast %select_n3A_486 : vector<16xi32> to vector<1x16xi32>
        tpu.vector_store %arg20[%swap3A_488, %swap3A_489], %swap3A_492 {strides = array<i32>} : memref<1x128xi32, #tpu.memory_space<vmem>>, vector<1x16xi32>,
        %dma_start3A_493 = arith.constant 0 : i32
        %dma_start3A_494 = arith.constant 0 : i32
        %dma_start3A_495 = tpu.memref_slice %arg17[%dma_start3A_493, %dma_start3A_494] : memref<1x128xi32, #tpu.memory_space<vmem>> -> memref<1x128xi32, #tpu.memory_space<vmem>>
        %dma_start3A_496 = tpu.memref_squeeze %dma_start3A_495 : memref<1x128xi32, #tpu.memory_space<vmem>> -> memref<128xi32, #tpu.memory_space<vmem>>
        %dma_start3A_497 = arith.constant 0 : i32
        %dma_start3A_498 = arith.constant 0 : i32
        %dma_start3A_499 = tpu.memref_slice %arg8[%dma_start3A_497, %dma_start3A_498] : memref<50016x32xf32, #tpu.memory_space<vmem_shared>> -> memref<50016x32xf32, #tpu.memory_space<vmem_shared>>
        tpu.enqueue_indirect_dma source(%arg11 : memref<128x32xf32, #tpu.memory_space<vmem>>) target(%dma_start3A_499 : memref<50016x32xf32, #tpu.memory_space<vmem_shared>>) offsets(%dma_start3A_496 : memref<128xi32, #tpu.memory_space<vmem>>) semaphore(%arg26 : memref<!tpu.dma_semaphore, #tpu.memory_space<semaphore_mem>>) {add = true}
        %dma_start3A_500 = arith.constant 0 : i32
        %dma_start3A_501 = arith.constant 0 : i32
        %dma_start3A_502 = tpu.memref_slice %arg20[%dma_start3A_500, %dma_start3A_501] : memref<1x128xi32, #tpu.memory_space<vmem>> -> memref<1x128xi32, #tpu.memory_space<vmem>>
        %dma_start3A_503 = tpu.memref_squeeze %dma_start3A_502 : memref<1x128xi32, #tpu.memory_space<vmem>> -> memref<128xi32, #tpu.memory_space<vmem>>
        %dma_start3A_504 = arith.constant 0 : i32
        %dma_start3A_505 = arith.constant 0 : i32
        %dma_start3A_506 = tpu.memref_slice %arg8[%dma_start3A_504, %dma_start3A_505] : memref<50016x32xf32, #tpu.memory_space<vmem_shared>> -> memref<50016x32xf32, #tpu.memory_space<vmem_shared>>
        tpu.enqueue_indirect_dma source(%arg14 : memref<128x32xf32, #tpu.memory_space<vmem>>) target(%dma_start3A_506 : memref<50016x32xf32, #tpu.memory_space<vmem_shared>>) offsets(%dma_start3A_503 : memref<128xi32, #tpu.memory_space<vmem>>) semaphore(%arg26 : memref<!tpu.dma_semaphore, #tpu.memory_space<semaphore_mem>>) {add = true}
      } else {
      }
    }
    %scan3A_29 = arith.constant 267 : i32
    %dma_wait3A = arith.constant 0 : i32
    %dma_wait3A_30 = arith.constant 0 : i32
    %dma_wait3A_31 = tpu.memref_slice %arg15[%dma_wait3A, %dma_wait3A_30] : memref<1x128xi32, #tpu.memory_space<vmem>> -> memref<1x128xi32, #tpu.memory_space<vmem>>
    %dma_wait3A_32 = tpu.memref_squeeze %dma_wait3A_31 : memref<1x128xi32, #tpu.memory_space<vmem>> -> memref<128xi32, #tpu.memory_space<vmem>>
    %dma_wait3A_33 = arith.constant 0 : i32
    %dma_wait3A_34 = arith.constant 0 : i32
    %dma_wait3A_35 = tpu.memref_slice %arg8[%dma_wait3A_33, %dma_wait3A_34] : memref<50016x32xf32, #tpu.memory_space<vmem_shared>> -> memref<50016x32xf32, #tpu.memory_space<vmem_shared>>
    tpu.wait_indirect_dma semaphore(%arg24 : memref<!tpu.dma_semaphore, #tpu.memory_space<semaphore_mem>>) src(%arg9 : memref<128x32xf32, #tpu.memory_space<vmem>>) dst(%dma_wait3A_35 : memref<50016x32xf32, #tpu.memory_space<vmem_shared>>)
    %dma_wait3A_36 = arith.constant 0 : i32
    %dma_wait3A_37 = arith.constant 0 : i32
    %dma_wait3A_38 = tpu.memref_slice %arg18[%dma_wait3A_36, %dma_wait3A_37] : memref<1x128xi32, #tpu.memory_space<vmem>> -> memref<1x128xi32, #tpu.memory_space<vmem>>
    %dma_wait3A_39 = tpu.memref_squeeze %dma_wait3A_38 : memref<1x128xi32, #tpu.memory_space<vmem>> -> memref<128xi32, #tpu.memory_space<vmem>>
    %dma_wait3A_40 = arith.constant 0 : i32
    %dma_wait3A_41 = arith.constant 0 : i32
    %dma_wait3A_42 = tpu.memref_slice %arg8[%dma_wait3A_40, %dma_wait3A_41] : memref<50016x32xf32, #tpu.memory_space<vmem_shared>> -> memref<50016x32xf32, #tpu.memory_space<vmem_shared>>
    tpu.wait_indirect_dma semaphore(%arg24 : memref<!tpu.dma_semaphore, #tpu.memory_space<semaphore_mem>>) src(%arg12 : memref<128x32xf32, #tpu.memory_space<vmem>>) dst(%dma_wait3A_42 : memref<50016x32xf32, #tpu.memory_space<vmem_shared>>)
    %dma_wait3A_43 = arith.constant 0 : i32
    %dma_wait3A_44 = arith.constant 0 : i32
    %dma_wait3A_45 = tpu.memref_slice %arg16[%dma_wait3A_43, %dma_wait3A_44] : memref<1x128xi32, #tpu.memory_space<vmem>> -> memref<1x128xi32, #tpu.memory_space<vmem>>
    %dma_wait3A_46 = tpu.memref_squeeze %dma_wait3A_45 : memref<1x128xi32, #tpu.memory_space<vmem>> -> memref<128xi32, #tpu.memory_space<vmem>>
    %dma_wait3A_47 = arith.constant 0 : i32
    %dma_wait3A_48 = arith.constant 0 : i32
    %dma_wait3A_49 = tpu.memref_slice %arg8[%dma_wait3A_47, %dma_wait3A_48] : memref<50016x32xf32, #tpu.memory_space<vmem_shared>> -> memref<50016x32xf32, #tpu.memory_space<vmem_shared>>
    tpu.wait_indirect_dma semaphore(%arg25 : memref<!tpu.dma_semaphore, #tpu.memory_space<semaphore_mem>>) src(%arg10 : memref<128x32xf32, #tpu.memory_space<vmem>>) dst(%dma_wait3A_49 : memref<50016x32xf32, #tpu.memory_space<vmem_shared>>)
    %dma_wait3A_50 = arith.constant 0 : i32
    %dma_wait3A_51 = arith.constant 0 : i32
    %dma_wait3A_52 = tpu.memref_slice %arg19[%dma_wait3A_50, %dma_wait3A_51] : memref<1x128xi32, #tpu.memory_space<vmem>> -> memref<1x128xi32, #tpu.memory_space<vmem>>
    %dma_wait3A_53 = tpu.memref_squeeze %dma_wait3A_52 : memref<1x128xi32, #tpu.memory_space<vmem>> -> memref<128xi32, #tpu.memory_space<vmem>>
    %dma_wait3A_54 = arith.constant 0 : i32
    %dma_wait3A_55 = arith.constant 0 : i32
    %dma_wait3A_56 = tpu.memref_slice %arg8[%dma_wait3A_54, %dma_wait3A_55] : memref<50016x32xf32, #tpu.memory_space<vmem_shared>> -> memref<50016x32xf32, #tpu.memory_space<vmem_shared>>
    tpu.wait_indirect_dma semaphore(%arg25 : memref<!tpu.dma_semaphore, #tpu.memory_space<semaphore_mem>>) src(%arg13 : memref<128x32xf32, #tpu.memory_space<vmem>>) dst(%dma_wait3A_56 : memref<50016x32xf32, #tpu.memory_space<vmem_shared>>)
    %barrier3A_57 = arith.constant 0 : index
    tpu.barrier barrier_id(%barrier3A_57)
    %mul3A_58 = arith.constant 50000 : i32
    %mul3A_59 = arith.muli %arg0, %mul3A_58 : i32
    %mul3A_60 = arith.constant 3126 : i32
    %mul3A_61 = arith.muli %arg1, %mul3A_60 : i32
    %add3A_62 = arith.addi %mul3A_59, %mul3A_61 : i32
    %lt3A = arith.constant 15 : i32
    %lt3A_63 = arith.cmpi slt, %arg1, %lt3A : i32
    %convert_element_type3A = arith.extui %lt3A_63 : i1 to i32
    %cond3A = arith.constant 0 : i32
    %cond3A_64 = arith.cmpi ne, %convert_element_type3A, %cond3A : i32
    scf.if %cond3A_64 {
      %mul3A_69 = arith.constant 3126 : i32
      %mul3A_70 = arith.muli %arg1, %mul3A_69 : i32
      "tpu.region"() ({
        %run_scoped3A = tpu.sem_alloc : memref<!tpu.dma_semaphore, #tpu.memory_space<semaphore_mem>>
        %dma_start3A_71 = arith.constant 0 : i32
        %dma_start3A_72 = tpu.memref_slice %arg7[%add3A_62, %dma_start3A_71] : memref<100096x32xf32, #tpu.memory_space<hbm>> -> memref<3126x32xf32, #tpu.memory_space<hbm>>
        %dma_start3A_73 = arith.constant 0 : i32
        %dma_start3A_74 = tpu.memref_slice %arg8[%mul3A_70, %dma_start3A_73] : memref<50016x32xf32, #tpu.memory_space<vmem_shared>> -> memref<3126x32xf32, #tpu.memory_space<vmem_shared>>
        tpu.enqueue_dma source(%dma_start3A_74 : memref<3126x32xf32, #tpu.memory_space<vmem_shared>>) target(%dma_start3A_72 : memref<3126x32xf32, #tpu.memory_space<hbm>>) target_semaphore(%run_scoped3A : memref<!tpu.dma_semaphore, #tpu.memory_space<semaphore_mem>>)
        %dma_wait3A_75 = arith.constant 0 : i32
        %dma_wait3A_76 = tpu.memref_slice %arg7[%add3A_62, %dma_wait3A_75] : memref<100096x32xf32, #tpu.memory_space<hbm>> -> memref<3126x32xf32, #tpu.memory_space<hbm>>
        %dma_wait3A_77 = arith.constant 0 : i32
        %dma_wait3A_78 = tpu.memref_slice %arg8[%mul3A_70, %dma_wait3A_77] : memref<50016x32xf32, #tpu.memory_space<vmem_shared>> -> memref<3126x32xf32, #tpu.memory_space<vmem_shared>>
        tpu.wait_dma2 semaphore(%run_scoped3A : memref<!tpu.dma_semaphore, #tpu.memory_space<semaphore_mem>>) src(%dma_wait3A_78 : memref<3126x32xf32, #tpu.memory_space<vmem_shared>>) dst(%dma_wait3A_76 : memref<3126x32xf32, #tpu.memory_space<hbm>>)
        tpu.yield
      }) : () -> ()
    } else {
    }
    %eq3A = arith.constant 15 : i32
    %eq3A_65 = arith.cmpi eq, %arg1, %eq3A : i32
    %convert_element_type3A_66 = arith.extui %eq3A_65 : i1 to i32
    %cond3A_67 = arith.constant 0 : i32
    %cond3A_68 = arith.cmpi ne, %convert_element_type3A_66, %cond3A_67 : i32
    scf.if %cond3A_68 {
      %mul3A_69 = arith.constant 3126 : i32
      %mul3A_70 = arith.muli %arg1, %mul3A_69 : i32
      "tpu.region"() ({
        %run_scoped3A = tpu.sem_alloc : memref<!tpu.dma_semaphore, #tpu.memory_space<semaphore_mem>>
        %dma_start3A_71 = arith.constant 0 : i32
        %dma_start3A_72 = tpu.memref_slice %arg7[%add3A_62, %dma_start3A_71] : memref<100096x32xf32, #tpu.memory_space<hbm>> -> memref<3110x32xf32, #tpu.memory_space<hbm>>
        %dma_start3A_73 = arith.constant 0 : i32
        %dma_start3A_74 = tpu.memref_slice %arg8[%mul3A_70, %dma_start3A_73] : memref<50016x32xf32, #tpu.memory_space<vmem_shared>> -> memref<3110x32xf32, #tpu.memory_space<vmem_shared>>
        tpu.enqueue_dma source(%dma_start3A_74 : memref<3110x32xf32, #tpu.memory_space<vmem_shared>>) target(%dma_start3A_72 : memref<3110x32xf32, #tpu.memory_space<hbm>>) target_semaphore(%run_scoped3A : memref<!tpu.dma_semaphore, #tpu.memory_space<semaphore_mem>>)
        %dma_wait3A_75 = arith.constant 0 : i32
        %dma_wait3A_76 = tpu.memref_slice %arg7[%add3A_62, %dma_wait3A_75] : memref<100096x32xf32, #tpu.memory_space<hbm>> -> memref<3110x32xf32, #tpu.memory_space<hbm>>
        %dma_wait3A_77 = arith.constant 0 : i32
        %dma_wait3A_78 = tpu.memref_slice %arg8[%mul3A_70, %dma_wait3A_77] : memref<50016x32xf32, #tpu.memory_space<vmem_shared>> -> memref<3110x32xf32, #tpu.memory_space<vmem_shared>>
        tpu.wait_dma2 semaphore(%run_scoped3A : memref<!tpu.dma_semaphore, #tpu.memory_space<semaphore_mem>>) src(%dma_wait3A_78 : memref<3110x32xf32, #tpu.memory_space<vmem_shared>>) dst(%dma_wait3A_76 : memref<3110x32xf32, #tpu.memory_space<hbm>>)
        tpu.yield
      }) : () -> ()
    } else {
    }
    return
  }
}

module attributes {stable_mosaic.version = 14 : i64} {
  func.func @_premix_body(%arg0: i32, %arg1: memref<3200x128xf32, #tpu.memory_space<vmem>>, %arg2: memref<3200x128xf32, #tpu.memory_space<vmem>>, %arg3: memref<2x128x128xf32, #tpu.memory_space<vmem>>, %arg4: memref<3200x128xf32, #tpu.memory_space<vmem>>, %arg5: memref<3200x128xf32, #tpu.memory_space<vmem>>) attributes {dimension_semantics = [#tpu.dimension_semantics<arbitrary>], iteration_bounds = array<i64: 125>, scalar_prefetch = 0 : i64, scratch_operands = 0 : i64, tpu.core_type = #tpu.core_type<tc>, window_params = [{transform_indices = @transform_0, window_bounds = array<i64: 3200, 128>}, {transform_indices = @transform_1, window_bounds = array<i64: 3200, 128>}, {pipeline_mode = #tpu.pipeline_mode<synchronous>, transform_indices = @transform_2, window_bounds = array<i64: 2, 128, 128>}, {transform_indices = @transform_3, window_bounds = array<i64: 3200, 128>}, {transform_indices = @transform_4, window_bounds = array<i64: 3200, 128>}]} {
    %get3A = arith.constant 0 : index
    %get3A_0 = arith.constant 0 : index
    %get3A_1 = vector.load %arg1[%get3A, %get3A_0] : memref<3200x128xf32, #tpu.memory_space<vmem>>, vector<3200x128xf32>
    %get3A_2 = arith.constant 0 : index
    %get3A_3 = arith.constant 0 : index
    %get3A_4 = vector.load %arg2[%get3A_2, %get3A_3] : memref<3200x128xf32, #tpu.memory_space<vmem>>, vector<3200x128xf32>
    %mul3A = arith.mulf %get3A_1, %get3A_4 : vector<3200x128xf32>
    %get3A_5 = arith.constant 0 : index
    %get3A_6 = arith.constant 0 : index
    %get3A_7 = arith.constant 0 : index
    %get3A_8 = vector.load %arg3[%get3A_5, %get3A_6, %get3A_7] : memref<2x128x128xf32, #tpu.memory_space<vmem>>, vector<1x128x128xf32>
    %get3A_9 = vector.shape_cast %get3A_8 : vector<1x128x128xf32> to vector<128x128xf32>
    %dot_general3A = arith.constant dense<0.000000e+00> : vector<3200x128xf32>
    %dot_general3A_10 = tpu.matmul %mul3A, %get3A_9, %dot_general3A {dimension_numbers = #tpu.dot_dimension_numbers<[1], [0], [0], [1], [0, 0, 1, 1], [], []>, transpose_lhs_hint = false} : vector<3200x128xf32>, vector<128x128xf32>, vector<3200x128xf32> -> vector<3200x128xf32>
    %swap3A = arith.constant 0 : index
    %swap3A_11 = arith.constant 0 : index
    %swap3A_12 = vector.load %arg4[%swap3A, %swap3A_11] : memref<3200x128xf32, #tpu.memory_space<vmem>>, vector<3200x128xf32>
    tpu.vector_store %arg4[%swap3A, %swap3A_11], %dot_general3A_10 {strides = array<i32>} : memref<3200x128xf32, #tpu.memory_space<vmem>>, vector<3200x128xf32>,
    %get3A_13 = arith.constant 1 : index
    %get3A_14 = arith.constant 0 : index
    %get3A_15 = arith.constant 0 : index
    %get3A_16 = vector.load %arg3[%get3A_13, %get3A_14, %get3A_15] : memref<2x128x128xf32, #tpu.memory_space<vmem>>, vector<1x128x128xf32>
    %get3A_17 = vector.shape_cast %get3A_16 : vector<1x128x128xf32> to vector<128x128xf32>
    %dot_general3A_18 = arith.constant dense<0.000000e+00> : vector<3200x128xf32>
    %dot_general3A_19 = tpu.matmul %mul3A, %get3A_17, %dot_general3A_18 {dimension_numbers = #tpu.dot_dimension_numbers<[1], [0], [0], [1], [0, 0, 1, 1], [], []>, transpose_lhs_hint = false} : vector<3200x128xf32>, vector<128x128xf32>, vector<3200x128xf32> -> vector<3200x128xf32>
    %swap3A_20 = arith.constant 0 : index
    %swap3A_21 = arith.constant 0 : index
    %swap3A_22 = vector.load %arg5[%swap3A_20, %swap3A_21] : memref<3200x128xf32, #tpu.memory_space<vmem>>, vector<3200x128xf32>
    tpu.vector_store %arg5[%swap3A_20, %swap3A_21], %dot_general3A_19 {strides = array<i32>} : memref<3200x128xf32, #tpu.memory_space<vmem>>, vector<3200x128xf32>,
    return
  }
  func.func @transform_0(%arg0: i32) -> (i32, i32) {
    %c0_i32 = arith.constant 0 : i32
    %c0_i32_0 = arith.constant 0 : i32
    return %arg0, %c0_i32 : i32, i32
  }
  func.func @transform_1(%arg0: i32) -> (i32, i32) {
    %c0_i32 = arith.constant 0 : i32
    %c0_i32_0 = arith.constant 0 : i32
    return %arg0, %c0_i32 : i32, i32
  }
  func.func @transform_2(%arg0: i32) -> (i32, i32, i32) {
    %c0_i32 = arith.constant 0 : i32
    %c0_i32_0 = arith.constant 0 : i32
    %c0_i32_1 = arith.constant 0 : i32
    %c0_i32_2 = arith.constant 0 : i32
    return %c0_i32, %c0_i32_0, %c0_i32_1 : i32, i32, i32
  }
  func.func @transform_3(%arg0: i32) -> (i32, i32) {
    %c0_i32 = arith.constant 0 : i32
    %c0_i32_0 = arith.constant 0 : i32
    return %arg0, %c0_i32 : i32, i32
  }
  func.func @transform_4(%arg0: i32) -> (i32, i32) {
    %c0_i32 = arith.constant 0 : i32
    %c0_i32_0 = arith.constant 0 : i32
    return %arg0, %c0_i32 : i32, i32
  }
}

</mosaic_0001>

<sc_bundles>
// kernel: kernel.4.cloned.1.call-start
scs
__scs_entry_jumppad:
0x0: {  	(pc) =	sbr.rel $0x88, $3  }
0x1: {  	(tag) =	ssettag $0x0;
	lr =	simm.s32 $0x1  }
0x2: {  	[smem:$0x3F9B] =	sst lr;
	_ =	strace $0xD0000000  }
0x3: {  	_ = 	snop  }
0x4: {  	_ = 	snop  }
0x5: {  	_ = 	snop  }
0x6: {  	_ = 	snop  }
0x7: {  	_ = 	snop  }
__scs_overlays_trampoline_lowered:
0x8: {  	[smem:$0x3FAA] =	sst s0  }
0x9: {  	[smem:$0x3FAB] =	sst s1  }
0xa: {  	[smem:$0x3FAC] =	sst s2  }
0xb: {  	[smem:$0x3FAD] =	sst s3  }
0xc: {  	[smem:$0x3FAE] =	sst s4  }
0xd: {  	[smem:$0x3FAF] =	sst s5  }
0xe: {  	[smem:$0x3FB0] =	sst s6  }
0xf: {  	[smem:$0x3FB1] =	sst s7  }
0x10: {  	[smem:$0x3FB2] =	sst s8  }
0x11: {  	[smem:$0x3FB3] =	sst s9;
	s0 =	simm.s32 @!p0 $0x0  }
0x12: {  	s1 =	sld [smem:$0x3F99];
	s0 =	simm.s32 @p0 $0x1  }
0x13: {  	[smem:$0x3FB4] =	sst s0;
	s0 =	simm.s32 @!p1 $0x0  }
0x14: {  	s2 =	sld [smem:$0x3F98];
	s0 =	simm.s32 @p1 $0x1  }
0x15: {  	[smem:$0x3FB5] =	sst s0;
	s0 =	simm.s32 @!p2 $0x0  }
0x16: {  	s3 =	sld [smem:$0x3FDB];
	s0 =	simm.s32 @p2 $0x1  }
0x17: {  	s4 =	simm.s32 $0x1BF5;
	[smem:$0x3FB7] =	sst s0  }
0x18: {  	s0 =	sld [smem:$0x3F9A];
	_ =	swait.ge [sflag:s4], $0x0  }
0x19: {  	s7 =	sld [smem:$0x3F9B]  }
0x1a: {  	s8 =	sadd.s32 $0xFFFFE003, lr  }
0x1b: {  	s9 =	sadd.s32 $0xFFFFFEF7, lr;
	s5 =	simm.s32 $0xFFFFFFFF;
	p2 =	slt.u32 s8, $0xFFFFF086  }
0x1c: {  	p1 =	slt.u32 s9, $0xF7A;
	s5 =	simm.s32 @!p2 $0x0  }
0x1d: {  	s5 =	simm.s32 @p1 $0x1;
	p0 =	seq.s32 s7, s2  }
0x1e: {  	s7 =	smul.u32 @!p0 $0xF7A, s2;
	p2 =	seq.s32 @!p0 s5, $0x0  }
0x1f: {  	s9 =	smul.u32 $0xF7A, s1;
	s8 =	simm.s32 @!p0 $0x1BF5;
	p2 =	por !p2, p0  }
0x20: {  	[sflag:s8] =	ssyncset.s32 @!p0 $0xFFFFF086;
	s6 =	sadd.s32 @!p0 s3, s7;
	s7 =	simm.s32 @!p0 $0x108  }
0x21: {  	s3 =	sadd.s32 s3, s9;
	s6 =	sadd.s32 @!p0 $0x88, s6;
	s7 =	simm.s32 @p2 $0x1082  }
0x22: {  	[simem:s7], [sflag:s8] =	dma.local @!p0 [hbm:s6], $0xF7A  }
0x23: {  	s9 =	sor.u32 $0xD0000000, s2;
	s6 =	simm.s32 $0x108;
	_ =	swait.ge @!p0 [sflag:s8], $0x0  }
0x24: {  	s3 =	sadd.s32 $0x88, s3;
	s6 =	simm.s32 @!p1 $0x1082;
	[sflag:s4] =	ssyncset.s32 $0xFFFFF086  }
0x25: {  	[simem:s6], [sflag:s4] =	dma.local [hbm:s3], $0xF7A  }
0x26: {  	[smem:$0x3F9B] =	sst s1;
	(tag) =	ssettag s2;
	_ =	strace s9  }
0x27: {  	s1 =	sld [smem:$0x3FAB]  }
0x28: {  	s2 =	sld [smem:$0x3FAC]  }
0x29: {  	s4 =	sld [smem:$0x3FAE]  }
0x2a: {  	p0 =	seq.s32 s5, $0x0;
	s5 =	sld [smem:$0x3FAF]  }
0x2b: {  	s6 =	sld [smem:$0x3FB0]  }
0x2c: {  	s7 =	sld [smem:$0x3FB1]  }
0x2d: {  	s3 =	simm.s32 $0x108;
	s8 =	sld [smem:$0x3FB2]  }
0x2e: {  	s3 =	simm.s32 @!p0 $0x1082;
	s9 =	sld [smem:$0x3FB3]  }
0x2f: {  	lr =	sadd.s32 s0, s3;
	s0 =	sld [smem:$0x3FAA]  }
0x30: {  	s3 =	sld [smem:$0x3FAD]  }
0x31: {  	[smem:$0x3FB6] =	sst s10  }
0x32: {  	s10 =	sld [smem:$0x3FB4];
	_ =	sdelay $0x3  }
0x33: {  	p0 =	seq.s32 s10, $0x1;
	s10 =	sld [smem:$0x3FB6];
	_ =	sdelay $0x3  }
0x34: {  	[smem:$0x3FB6] =	sst s10  }
0x35: {  	s10 =	sld [smem:$0x3FB5];
	_ =	sdelay $0x3  }
0x36: {  	p1 =	seq.s32 s10, $0x1;
	s10 =	sld [smem:$0x3FB6];
	_ =	sdelay $0x3  }
0x37: {  	[smem:$0x3FB6] =	sst s10  }
0x38: {  	s10 =	sld [smem:$0x3FB7]  }
0x39: {  	_ = 	snop;
	(pc) =	sbr.ind lr, $3  }
0x3a: {  	_ = 	snop  }
0x3b: {  	_ = 	snop  }
0x3c: {  	p2 =	seq.s32 s10, $0x1;
	s10 =	sld [smem:$0x3FB6]  }
0x3d: {  	_ =	shalt  }
0x3e: {  	_ =	shalt  }
0x3f: {  	_ =	shalt  }
0x40: {  	_ =	shalt  }
0x41: {  	_ =	shalt  }
0x42: {  	_ =	shalt  }
0x43: {  	_ =	shalt  }
0x44: {  	_ =	shalt  }
0x45: {  	_ =	shalt  }
0x46: {  	_ =	shalt  }
0x47: {  	_ =	shalt  }
0x48: {  	_ =	shalt  }
0x49: {  	_ =	shalt  }
0x4a: {  	_ =	shalt  }
0x4b: {  	_ =	shalt  }
0x4c: {  	_ =	shalt  }
0x4d: {  	_ =	shalt  }
0x4e: {  	_ =	shalt  }
0x4f: {  	_ =	shalt  }
0x50: {  	_ =	shalt  }
0x51: {  	_ =	shalt  }
0x52: {  	_ =	shalt  }
0x53: {  	_ =	shalt  }
0x54: {  	_ =	shalt  }
0x55: {  	_ =	shalt  }
0x56: {  	_ =	shalt  }
0x57: {  	_ =	shalt  }
0x58: {  	_ =	shalt  }
0x59: {  	_ =	shalt  }
0x5a: {  	_ =	shalt  }
0x5b: {  	_ =	shalt  }
0x5c: {  	_ =	shalt  }
0x5d: {  	_ =	shalt  }
0x5e: {  	_ =	shalt  }
0x5f: {  	_ =	shalt  }
0x60: {  	_ =	shalt  }
0x61: {  	_ =	shalt  }
0x62: {  	_ =	shalt  }
0x63: {  	_ =	shalt  }
0x64: {  	_ =	shalt  }
0x65: {  	_ =	shalt  }
0x66: {  	_ =	shalt  }
0x67: {  	_ =	shalt  }
0x68: {  	_ =	shalt  }
0x69: {  	_ =	shalt  }
0x6a: {  	_ =	shalt  }
0x6b: {  	_ =	shalt  }
0x6c: {  	_ =	shalt  }
0x6d: {  	_ =	shalt  }
0x6e: {  	_ =	shalt  }
0x6f: {  	_ =	shalt  }
0x70: {  	_ =	shalt  }
0x71: {  	_ =	shalt  }
0x72: {  	_ =	shalt  }
0x73: {  	_ =	shalt  }
0x74: {  	_ =	shalt  }
0x75: {  	_ =	shalt  }
0x76: {  	_ =	shalt  }
0x77: {  	_ =	shalt  }
0x78: {  	_ =	shalt  }
0x79: {  	_ =	shalt  }
0x7a: {  	_ =	shalt  }
0x7b: {  	_ =	shalt  }
0x7c: {  	_ =	shalt  }
0x7d: {  	_ =	shalt  }
0x7e: {  	_ =	shalt  }
0x7f: {  	_ =	shalt  }
0x80: {  	_ =	shalt  }
0x81: {  	_ =	shalt  }
0x82: {  	_ =	shalt  }
0x83: {  	_ =	shalt  }
0x84: {  	_ =	shalt  }
0x85: {  	_ =	shalt  }
0x86: {  	_ =	shalt  }
0x87: {  	_ =	shalt  }
.Lfunc_end0:
.L_simem_size_0:
called_computation_lowered:
.L_overlay_start_0:
0x88: {  	s2 =	sld [smem:$0x3FD9]  }
0x89: {  	s3 =	sld [smem:$0x3FFE];
	_ =	sdelay $0x1  }
0x8a: {  	s1 =	srdreg.scid  }
0x8b: {  	s0 =	sand.u32 $0x1, s1  }
0x8c: {  	s17 =	sshll.u32 s0, $0xA;
	s2 =	sadd.s32 s3, s2  }
0x8d: {  	s2 =	sadd.s32 s2, s17  }
0x8e: {  	[smem:$0x3FC2] =	sst s2  }
0x8f: {  	_ = 	snop  }
0x90: {  	s2 =	sld [smem:$0x3FD0];
	(tm) =	ssettm $0x1  }
0x91: {  	s18 =	sld [smem:$0x3FFB];
	_ =	sdelay $0x3  }
0x92: {  	_ =	strace s18  }
0x93: {  	s3 =	sld [smem:$0x3FFC];
	_ =	sdelay $0x3  }
0x94: {  	_ =	strace s3  }
0x95: {  	s3 =	sld [smem:$0x3FFD];
	_ =	sdelay $0x3  }
0x96: {  	_ =	strace s3  }
0x97: {  	_ =	strace $0x8FFFFFFF  }
0x98: {  	s19 =	sld [smem:$0x3FDB];
	_ =	sdelay $0x1  }
0x99: {  	s4 =	simm.s32 $_scs_section_size  }
0x9a: {  	s5 =	simm.s32 $_size__tile_overlayer_lowered;
	s6 =	simm.s32 $_tile_overlayer_lowered  }
0x9b: {  	s22 =	simm.s32 $0x1BFF;
	s21 =	sshll.u32 s6, $0x1;
	s3 =	sadd.s32 s4, s19  }
0x9c: {  	s7 =	simm.s32 $0x0;
	s20 =	sshll.u32 s5, $0x1;
	s5 =	sadd.s32 s21, s3  }
0x9d: {  	[timem:s7], [sflag:s22] =	dma.local [hbm:s5], s20  }
0x9e: {  	_ =	swait.ge [sflag:s22], s20  }
0x9f: {  	s4 =	ssub.s32 $0x0, s20;
	[sflag:s22] =	ssyncset.done $0x0  }
0xa0: {  	[sflag:s22] =	ssyncadd.s32 s4;
	_ =	sdelay $0x1  }
0xa1: {  	s23 =	simm.s32 $0x1B8B  }
0xa2: {  	_ =	swait.ge [sflag:s23], $0x1  }
0xa3: {  	[sflag:s23] =	ssyncset.done $0x0  }
0xa4: {  	s25 =	simm.s32 $0x1B8E;
	s24 =	sld [smem:$0x3FFE];
	[sflag:s23] =	ssyncadd.s32 $0xFFFFFFFF  }
0xa5: {  	s26 =	simm.s32 $execute0_lowered;
	[smem:$0x3FD2] =	sst s25  }
0xa6: {  	s5 =	sshll.u32 s26, $0x1;
	_ =	strace $0x80000046;
	[dreg:$0x1] =	wrdreg $0xFFFFFFFF  }
0xa7: {  	s28 =	simm.s32 $_size_execute0_lowered;
	s3 =	sadd.s32 s3, s5;
	[dreg:$0x0] =	wrdreg $0x0  }
0xa8: {  	s5 =	sshll.u32 s28, $0x1;
	[dreg:$0x2] =	wrdreg s3  }
0xa9: {  	[dreg:$0x3] =	wrdreg s5  }
0xaa: {  	[dreg:$0x4] =	wrdreg $0xC0  }
0xab: {  	_ =	task [dreg:s7], $0x5FFFF  }
0xac: {  	[dreg:$0x1] =	wrdreg $0xFFFFFFFF  }
0xad: {  	[dreg:$0x0] =	wrdreg $0x60  }
0xae: {  	[dreg:$0x2] =	wrdreg s24  }
0xaf: {  	[dreg:$0x3] =	wrdreg s2  }
0xb0: {  	[dreg:$0x4] =	wrdreg $0x0  }
0xb1: {  	[dreg:$0x5] =	wrdreg $0x9  }
0xb2: {  	_ =	task.clear_ibuf [dreg:s7], $0x6FFFF;
	_ =	strace $0x90000046  }
0xb3: {  	s29 =	simm.s32 $0x9;
	_ =	strace $0x80000048  }
0xb4: {  	_ =	swait.ge [sflag:s29], $0x1  }
0xb5: {  	[sflag:s29] =	ssyncadd.s32 $0xFFFFFFFF  }
0xb6: {  	_ =	strace $0x90000048  }
0xb7: {  	_ =	sfence  }
0xb8: {  	s30 =	sld [smem:$0x0];
	_ =	sdelay $0x2  }
0xb9: {  	s31 =	sshll.u32 s1, $0xD;
	s1 =	sshrl.u32 s1, $0x2  }
0xba: {  	s3 =	sand.u32 $0x4000, s31;
	s1 =	sadd.s32 s1, s30  }
0xbb: {  	s0 =	sor.u32 s3, s0;
	s1 =	sshll.u32 s1, $0x11  }
0xbc: {  	s0 =	sor.u32 s1, s0  }
0xbd: {  	s0 =	sadd.s32 $0x8F2B, s0  }
0xbe: {  	[sflag:s0] =	ssyncadd.remote.s32 $0x1  }
0xbf: {  	_ =	sfence.sel $0xFFFF  }
0xc0: {  	[dreg:$0x0] =	wrdreg $0xFFFFFFFF;
	(pc) =	sbr.abs _section_cstart, $3  }
0xc1: {  	[dreg:$0x1] =	wrdreg $0xFFFFFFFF  }
0xc2: {  	_ =	task.clear_ibuf [dreg:s7], $0x2FFFF;
	_ =	strace $0x9FFFFFFF  }
0xc3: {  	(tm) =	ssettm $0x7FFFFFFF  }
tec
execute0_lowered:
.L_overlay_start_1:
0x0: {  	(tag) =	ssettag $0x1  }
0x1: {  	s0 =	rddreg [dreg:$0x0]  }
0x2: {  	s1 =	rddreg [dreg:$0x1]  }
0x3: {  	s2 =	rddreg [dreg:$0x2];
	s3 =	simm.s32 $0x0  }
0x4: {  	s12 =	stileid.u32;
	s5 =	srdreg.scid;
	s18 =	simm.s32 $0x186C0  }
0x5: {  	s19 =	simm.s32 $0x1B6C0;
	s28 =	simm.s32 $0x80;
	s29 =	simm.s32 $0x2  }
0x6: {  	s30 =	simm.s32 $0x4;
	[smem:$0x7FF] =	sst s3;
	s4 =	smul.u32 $0x64000, s12  }
0x7: {  	s5 =	sand.u32 $0x1, s5;
	s13 =	sadd.s32 $0x1400, s0;
	s8 =	smul.u32 $0x61B00, s12  }
0x8: {  	s14 =	sadd.s32 $0x33400, s0;
	s21 =	smul.u32 $0xC36, s12;
	s23 =	sshll.u32 s12, $0x6  }
0x9: {  	s9 =	smul.u32 $0x3200, s12;
	p0 =	seq.s32 s12, $0xF;
	s12 =	simm.s32 $0x1D6C0  }
0xa: {  	_ =	strace $0x80000047;
	s6 =	ssub.s32 $0x2, s5;
	[dreg:$0x4] =	wrdreg s13  }
0xb: {  	s5 =	smul.u32 $0xC350, s5;
	s15 =	sor.u32 $0x1C07, s23;
	[dreg:$0x5] =	wrdreg s14  }
0xc: {  	s23 =	simm.s32 $0x1C6C0;
	s4 =	sadd.s32 s4, s0;
	s7 =	sshrl.u32 s6, $0x1  }
0xd: {  	s0 =	sadd.s32 $0xCE5400, s0;
	s22 =	sshrl.u32 s8, $0x2;
	[dreg:$0x8] =	wrdreg s15  }
0xe: {  	s25 =	sadd.s32 s13, s9;
	s26 =	sadd.s32 s14, s9;
	[dreg:$0x6] =	wrdreg s0  }
0xf: {  	s20 =	ssub.s32 s6, s7;
	s7 =	sadd.s32 s22, s2;
	s10 =	sadd.s32 $0x65400, s4  }
0x10: {  	s11 =	sadd.s32 $0x6A5400, s4;
	s24 =	sadd.s32 s21, s5;
	[dreg:$0x9] =	wrdreg s25  }
0x11: {  	[dreg:$0xa] =	wrdreg s26;
	s21 =	simm.s32 $0x1E840;
	s22 =	simm.s32 $0x196C0  }
0x12: {  	s25 =	simm.s32 $0x1E8C0;
	s26 =	simm.s32 $0x1;
	s6 =	simm.s32 $0x1A6C0  }
.Ltmp0:
0x13: {  	v0 =	vmov s5;
	s5 =	simm.s32 $0x0;
	s4 =	sshll.u32 s24, $0x2;
	(pc) =	sbr.rel .LBB2_1-.Ltmp0, $4  }
0x14: {  	s0 =	smax.u32 s20, $0x1;
	[dreg:$0x7] =	wrdreg s7;
	s31 =	sshrl.u32 s7, $0x3  }
0x15: {  	s20 =	simm.s32 $0x1E6C0;
	s24 =	simm.s32 $0x1E740;
	[dreg:$0xc] =	wrdreg s0  }
0x16: {  	s1 =	sadd.s32 s1, s4;
	[dreg:$0xd] =	wrdreg s31;
	s0 =	simm.s32 $0x3  }
0x17: {  	s4 =	simm.s32 $0x1E940;
	[dreg:$0xb] =	wrdreg s1;
	s1 =	simm.s32 $0x1E7C0  }
.LBB2_4:
0x18: {  	s7 =	simm.s32 $0x5  }
0x19: {  	_ =	swait.ge [sflag:s7], $0x1000  }
0x1a: {  	[sflag:s7] =	ssyncset.done $0x0  }
0x1b: {  	[sflag:s7] =	ssyncadd.s32 $0xFFFFF000  }
0x1c: {  	_ =	swait.ge [sflag:s7], $0x1000  }
0x1d: {  	[sflag:s7] =	ssyncset.done $0x0  }
0x1e: {  	[sflag:s7] =	ssyncadd.s32 $0xFFFFF000  }
0x1f: {  	[bflag:$0x0] =	sbarrier.arrive $0xFFFF  }
0x20: {  	s8 =	rddreg [dreg:$0x7]  }
0x21: {  	s15 =	rddreg [dreg:$0x8]  }
0x22: {  	s13 =	rddreg [dreg:$0xb];
	s7 =	sshrl.u32 @p0 s8, $0x3  }
0x23: {  	[hbm:s13], [sflag:s15] =	dma.local @p0 [spmem:s7], $0x3098  }
0x24: {  	s7 =	simm.s32 @p0 $0x7  }
0x25: {  	_ =	swait.ge @p0 [sflag:s7], $0x3098  }
0x26: {  	[sflag:s7] =	ssyncset.done @p0 $0x0  }
0x27: {  	[sflag:s7] =	ssyncadd.s32 @p0 $0xFFFFCF68;
	s7 =	sshrl.u32 @!p0 s8, $0x3  }
0x28: {  	[hbm:s13], [sflag:s15] =	dma.local @!p0 [spmem:s7], $0x30D8  }
0x29: {  	s7 =	simm.s32 @!p0 $0x7  }
0x2a: {  	_ =	swait.ge @!p0 [sflag:s7], $0x30D8  }
0x2b: {  	s5 =	sadd.s32 $0x1, s5;
	s31 =	rddreg [dreg:$0xc]  }
0x2c: {  	p1 =	sne.s32 s5, s31  }
.Ltmp1:
0x2d: {  	_ = 	snop;
	(pc) =	sbr.rel @!p1 .LBB2_5-.Ltmp1, $3  }
0x2e: {  	_ =	sdelay $0x1  }
0x2f: {  	[sflag:s7] =	ssyncset.done @!p0 $0x0  }
0x30: {  	[sflag:s7] =	ssyncadd.s32 @!p0 $0xFFFFCF28  }
.LBB2_1:
0x31: {  	s7 =	rddreg [dreg:$0x6]  }
0x32: {  	s8 =	rddreg [dreg:$0xd];
	s16 =	simm.s32 $0x7  }
0x33: {  	[spmem:s8], [sflag:s15] =	dma.local [hbm:s7], $0x30D8  }
0x34: {  	_ =	swait.ge [sflag:s16], $0x30D8  }
0x35: {  	[sflag:s16] =	ssyncset.done $0x0  }
0x36: {  	[sflag:s16] =	ssyncadd.s32 $0xFFFFCF28  }
0x37: {  	[bflag:$0x0] =	sbarrier.arrive $0xFFFF  }
0x38: {  	[tilespmem:s18], [sflag:$0x1] =	stream.linear.gather [hbm4b:s10+s3], $0x1000, $0x38;
	[tilespmem:$0x1E9C0] =	vst v63  }
0x39: {  	s17 =	rddreg [dreg:$0x9]  }
0x3a: {  	s31 =	rddreg [dreg:$0xa]  }
0x3b: {  	[tilespmem:s19], [sflag:$0x1] =	stream.linear.gather [hbm4b:s11+s3], $0x1000, $0x38;
	[tilespmem:$0x1E9C0] =	vst v63  }
0x3c: {  	s13 =	rddreg [dreg:$0x4]  }
0x3d: {  	[tilespmem:s20], [sflag:$0x1] =	stream.linear.gather [hbm4b:s17+s3], $0x80, $0x38;
	[tilespmem:$0x1E9C0] =	vst v63  }
0x3e: {  	s16 =	simm.s32 $0x0;
	s15 =	rddreg [dreg:$0x5]  }
0x3f: {  	[tilespmem:s21], [sflag:$0x1] =	stream.linear.gather [hbm4b:s31+s3], $0x80, $0x38;
	[tilespmem:$0x1E9C0] =	vst v63  }
.LBB2_2:
0x40: {  	p1 =	seq.s32 s16, $0x0  }
0x41: {  	s7 =	simm.s32 @!p1 $0x5  }
0x42: {  	_ =	swait.ge @!p1 [sflag:s7], $0x1000  }
0x43: {  	[sflag:s7] =	ssyncset.done @!p1 $0x0  }
0x44: {  	[sflag:s7] =	ssyncadd.s32 @!p1 $0xFFFFF000  }
0x45: {  	_ =	swait.ge @!p1 [sflag:s7], $0x1000  }
0x46: {  	s17 =	sadd.s32 s16, s10;
	[sflag:s7] =	ssyncset.done @!p1 $0x0  }
0x47: {  	s14 =	sadd.s32 $0x200, s17;
	[sflag:s7] =	ssyncadd.s32 @!p1 $0xFFFFF000;
	s7 =	sadd.s32 s16, s11  }
0x48: {  	[tilespmem:s22], [sflag:$0x2] =	stream.linear.gather [hbm4b:s14+s3], $0x1000, $0x38;
	[tilespmem:$0x1E9C0] =	vst v63  }
0x49: {  	s8 =	sadd.s32 $0x200, s7;
	s14 =	sadd.s32 s13, s9  }
0x4a: {  	[tilespmem:s23], [sflag:$0x2] =	stream.linear.gather [hbm4b:s8+s3], $0x1000, $0x38;
	[tilespmem:$0x1E9C0] =	vst v63  }
0x4b: {  	s31 =	sadd.s32 $0x10, s14;
	s8 =	sadd.s32 s15, s9  }
0x4c: {  	[tilespmem:s24], [sflag:$0x2] =	stream.linear.gather [hbm4b:s31+s3], $0x80, $0x38;
	[tilespmem:$0x1E9C0] =	vst v63  }
0x4d: {  	s31 =	sadd.s32 $0x10, s8  }
0x4e: {  	[tilespmem:s25], [sflag:$0x2] =	stream.linear.gather [hbm4b:s31+s3], $0x80, $0x38;
	[tilespmem:$0x1E9C0] =	vst v63  }
0x4f: {  	_ =	swait.ge [sflag:s26], $0x1000  }
0x50: {  	[sflag:s26] =	ssyncset.done $0x0  }
0x51: {  	[sflag:s26] =	ssyncadd.s32 $0xFFFFF000  }
0x52: {  	_ =	swait.ge [sflag:s26], $0x1000  }
0x53: {  	[sflag:s26] =	ssyncset.done $0x0  }
0x54: {  	[sflag:s26] =	ssyncadd.s32 $0xFFFFF000  }
0x55: {  	_ =	swait.ge [sflag:s26], $0x80  }
0x56: {  	[sflag:s26] =	ssyncset.done $0x0  }
0x57: {  	[sflag:s26] =	ssyncadd.s32 $0xFFFFFF80  }
0x58: {  	_ =	swait.ge [sflag:s26], $0x80  }
0x59: {  	[sflag:s26] =	ssyncset.done $0x0  }
0x5a: {  	[sflag:s26] =	ssyncadd.s32 $0xFFFFFF80  }
0x5b: {  	v1 =	vld [tilespmem:$0x1E6C0]  }
0x5c: {  	v2 =	vld [tilespmem:$0x1E840]  }
0x5d: {  	v3 =	vld [tilespmem:$0x1E6D0]  }
0x5e: {  	v4 =	vld [tilespmem:$0x1E850]  }
0x5f: {  	v5 =	vld [tilespmem:$0x1E6E0]  }
0x60: {  	v6 =	vld [tilespmem:$0x1E860];
	v1 =	vsub.s32 v1, v0  }
0x61: {  	v7 =	vld [tilespmem:$0x1E6F0];
	v2 =	vsub.s32 v2, v0;
	v1 =	vmin.u32 v1, $0xC350  }
0x62: {  	[tilespmem:$0x1E6C0] =	vst v1;
	v1 =	vmin.u32 v2, $0xC350;
	v2 =	vsub.s32 v3, v0;
	v3 =	vld [tilespmem:$0x1E870]  }
0x63: {  	v46 =	vld [tilespmem:$0x1E700];
	[tilespmem:$0x1E840] =	vst v1;
	v1 =	vmin.u32 v2, $0xC350;
	v2 =	vsub.s32 v4, v0  }
0x64: {  	v47 =	vld [tilespmem:$0x1E880];
	[tilespmem:$0x1E6D0] =	vst v1;
	v1 =	vmin.u32 v2, $0xC350;
	v2 =	vsub.s32 v5, v0  }
0x65: {  	v48 =	vld [tilespmem:$0x1E710];
	[tilespmem:$0x1E850] =	vst v1;
	v1 =	vmin.u32 v2, $0xC350;
	v2 =	vsub.s32 v6, v0  }
0x66: {  	v49 =	vld [tilespmem:$0x1E890];
	[tilespmem:$0x1E6E0] =	vst v1;
	v1 =	vmin.u32 v2, $0xC350;
	v2 =	vsub.s32 v7, v0  }
0x67: {  	[tilespmem:$0x1E860] =	vst v1;
	v1 =	vmin.u32 v2, $0xC350;
	v2 =	vsub.s32 v3, v0;
	v3 =	vld [tilespmem:$0x1E720]  }
0x68: {  	v50 =	vld [tilespmem:$0x1E8A0];
	[tilespmem:$0x1E6F0] =	vst v1;
	v1 =	vmin.u32 v2, $0xC350;
	v2 =	vsub.s32 v46, v0  }
0x69: {  	v51 =	vld [tilespmem:$0x1E730];
	[tilespmem:$0x1E870] =	vst v1;
	v1 =	vmin.u32 v2, $0xC350;
	v2 =	vsub.s32 v47, v0  }
0x6a: {  	v52 =	vld [tilespmem:$0x1E8B0];
	[tilespmem:$0x1E700] =	vst v1;
	v1 =	vmin.u32 v2, $0xC350;
	v2 =	vsub.s32 v48, v0  }
0x6b: {  	[tilespmem:$0x1E880] =	vst v1;
	v1 =	vmin.u32 v2, $0xC350;
	v2 =	vsub.s32 v49, v0  }
0x6c: {  	[tilespmem:$0x1E710] =	vst v1;
	v1 =	vmin.u32 v2, $0xC350;
	v2 =	vsub.s32 v3, v0  }
0x6d: {  	[tilespmem:$0x1E890] =	vst v1;
	v1 =	vmin.u32 v2, $0xC350;
	v2 =	vsub.s32 v50, v0  }
0x6e: {  	[tilespmem:$0x1E720] =	vst v1;
	v1 =	vmin.u32 v2, $0xC350;
	v2 =	vsub.s32 v51, v0  }
0x6f: {  	[tilespmem:$0x1E8A0] =	vst v1;
	v1 =	vmin.u32 v2, $0xC350;
	v2 =	vsub.s32 v52, v0  }
0x70: {  	[tilespmem:$0x1E730] =	vst v1;
	v1 =	vmin.u32 v2, $0xC350  }
0x71: {  	[tilespmem:$0x1E8B0] =	vst v1  }
0x72: {  	[spmem:s2] =	stream.indirect.scatter.add.f32 [tilespmem:s18], [sflag:$0x4], $0x20, s20, s28, $0xb8;
	[tilespmem:$0x1E9C0] =	vst v63  }
0x73: {  	s31 =	simm.s32 @!p1 $0x6  }
0x74: {  	[spmem:s2] =	stream.indirect.scatter.add.f32 [tilespmem:s19], [sflag:$0x4], $0x20, s21, s28, $0xb8;
	[tilespmem:$0x1E9C0] =	vst v63  }
0x75: {  	_ =	swait.ge @!p1 [sflag:s31], $0x1000  }
0x76: {  	[sflag:s31] =	ssyncset.done @!p1 $0x0  }
0x77: {  	[sflag:s31] =	ssyncadd.s32 @!p1 $0xFFFFF000  }
0x78: {  	p2 =	seq.s32 @!p1 s16, $0x63C00;
	_ =	swait.ge @!p1 [sflag:s31], $0x1000  }
0x79: {  	p2 =	por p1, !p2;
	[sflag:s31] =	ssyncset.done @!p1 $0x0  }
0x7a: {  	[sflag:s31] =	ssyncadd.s32 @!p1 $0xFFFFF000;
	s31 =	sadd.s32 @p2 $0x400, s17  }
0x7b: {  	[tilespmem:s6], [sflag:$0x3] =	stream.linear.gather @p2 [hbm4b:s31+s3], $0x1000, $0x38;
	[tilespmem:$0x1E9C0] =	vst v63  }
0x7c: {  	s31 =	sadd.s32 @p2 $0x400, s7  }
0x7d: {  	[tilespmem:s12], [sflag:$0x3] =	stream.linear.gather @p2 [hbm4b:s31+s3], $0x1000, $0x38;
	[tilespmem:$0x1E9C0] =	vst v63  }
0x7e: {  	s31 =	sadd.s32 @p2 $0x20, s14  }
0x7f: {  	[tilespmem:s1], [sflag:$0x3] =	stream.linear.gather @p2 [hbm4b:s31+s3], $0x80, $0x38;
	[tilespmem:$0x1E9C0] =	vst v63  }
0x80: {  	s31 =	sadd.s32 @p2 $0x20, s8  }
0x81: {  	[tilespmem:s4], [sflag:$0x3] =	stream.linear.gather @p2 [hbm4b:s31+s3], $0x80, $0x38;
	[tilespmem:$0x1E9C0] =	vst v63  }
0x82: {  	_ =	swait.ge [sflag:s29], $0x1000  }
0x83: {  	[sflag:s29] =	ssyncset.done $0x0  }
0x84: {  	[sflag:s29] =	ssyncadd.s32 $0xFFFFF000  }
0x85: {  	_ =	swait.ge [sflag:s29], $0x1000  }
0x86: {  	[sflag:s29] =	ssyncset.done $0x0  }
0x87: {  	[sflag:s29] =	ssyncadd.s32 $0xFFFFF000  }
0x88: {  	_ =	swait.ge [sflag:s29], $0x80  }
0x89: {  	[sflag:s29] =	ssyncset.done $0x0  }
0x8a: {  	[sflag:s29] =	ssyncadd.s32 $0xFFFFFF80  }
0x8b: {  	_ =	swait.ge [sflag:s29], $0x80  }
0x8c: {  	[sflag:s29] =	ssyncset.done $0x0  }
0x8d: {  	[sflag:s29] =	ssyncadd.s32 $0xFFFFFF80  }
0x8e: {  	v1 =	vld [tilespmem:$0x1E740]  }
0x8f: {  	v2 =	vld [tilespmem:$0x1E8C0]  }
0x90: {  	v3 =	vld [tilespmem:$0x1E750]  }
0x91: {  	v53 =	vld [tilespmem:$0x1E8D0]  }
0x92: {  	v54 =	vld [tilespmem:$0x1E760]  }
0x93: {  	v55 =	vld [tilespmem:$0x1E8E0];
	v1 =	vsub.s32 v1, v0  }
0x94: {  	v56 =	vld [tilespmem:$0x1E770];
	v2 =	vsub.s32 v2, v0;
	v1 =	vmin.u32 v1, $0xC350  }
0x95: {  	[tilespmem:$0x1E740] =	vst v1;
	v1 =	vmin.u32 v2, $0xC350;
	v2 =	vsub.s32 v3, v0;
	v3 =	vld [tilespmem:$0x1E8F0]  }
0x96: {  	v57 =	vld [tilespmem:$0x1E780];
	[tilespmem:$0x1E8C0] =	vst v1;
	v1 =	vmin.u32 v2, $0xC350;
	v2 =	vsub.s32 v53, v0  }
0x97: {  	v58 =	vld [tilespmem:$0x1E900];
	[tilespmem:$0x1E750] =	vst v1;
	v1 =	vmin.u32 v2, $0xC350;
	v2 =	vsub.s32 v54, v0  }
0x98: {  	v59 =	vld [tilespmem:$0x1E790];
	[tilespmem:$0x1E8D0] =	vst v1;
	v1 =	vmin.u32 v2, $0xC350;
	v2 =	vsub.s32 v55, v0  }
0x99: {  	v60 =	vld [tilespmem:$0x1E910];
	[tilespmem:$0x1E760] =	vst v1;
	v1 =	vmin.u32 v2, $0xC350;
	v2 =	vsub.s32 v56, v0  }
0x9a: {  	[tilespmem:$0x1E8E0] =	vst v1;
	v1 =	vmin.u32 v2, $0xC350;
	v2 =	vsub.s32 v3, v0;
	v3 =	vld [tilespmem:$0x1E7A0]  }
0x9b: {  	v61 =	vld [tilespmem:$0x1E920];
	[tilespmem:$0x1E770] =	vst v1;
	v1 =	vmin.u32 v2, $0xC350;
	v2 =	vsub.s32 v57, v0  }
0x9c: {  	v62 =	vld [tilespmem:$0x1E7B0];
	[tilespmem:$0x1E8F0] =	vst v1;
	v1 =	vmin.u32 v2, $0xC350;
	v2 =	vsub.s32 v58, v0  }
0x9d: {  	v63 =	vld [tilespmem:$0x1E930];
	[tilespmem:$0x1E780] =	vst v1;
	v1 =	vmin.u32 v2, $0xC350;
	v2 =	vsub.s32 v59, v0  }
0x9e: {  	[tilespmem:$0x1E900] =	vst v1;
	v1 =	vmin.u32 v2, $0xC350;
	v2 =	vsub.s32 v60, v0  }
0x9f: {  	[tilespmem:$0x1E790] =	vst v1;
	v1 =	vmin.u32 v2, $0xC350;
	v2 =	vsub.s32 v3, v0  }
0xa0: {  	[tilespmem:$0x1E910] =	vst v1;
	v1 =	vmin.u32 v2, $0xC350;
	v2 =	vsub.s32 v61, v0  }
0xa1: {  	[tilespmem:$0x1E7A0] =	vst v1;
	v1 =	vmin.u32 v2, $0xC350;
	v2 =	vsub.s32 v62, v0  }
0xa2: {  	[tilespmem:$0x1E920] =	vst v1;
	v1 =	vmin.u32 v2, $0xC350;
	v2 =	vsub.s32 v63, v0  }
0xa3: {  	[tilespmem:$0x1E7B0] =	vst v1;
	v1 =	vmin.u32 v2, $0xC350  }
0xa4: {  	[tilespmem:$0x1E930] =	vst v1  }
0xa5: {  	[spmem:s2] =	stream.indirect.scatter.add.f32 [tilespmem:s22], [sflag:$0x5], $0x20, s24, s28, $0xb8;
	[tilespmem:$0x1E9C0] =	vst v63  }
0xa6: {  	_ = 	snop  }
0xa7: {  	[spmem:s2] =	stream.indirect.scatter.add.f32 [tilespmem:s23], [sflag:$0x5], $0x20, s25, s28, $0xb8;
	[tilespmem:$0x1E9C0] =	vst v63  }
0xa8: {  	p1 =	seq.s32 s16, $0x63C00;
	_ =	swait.ge [sflag:s30], $0x1000  }
.Ltmp2:
0xa9: {  	[sflag:s30] =	ssyncset.done $0x0;
	(pc) =	sbr.rel @p1 .LBB2_4-.Ltmp2, $4  }
0xaa: {  	[sflag:s30] =	ssyncadd.s32 $0xFFFFF000  }
0xab: {  	_ =	swait.ge [sflag:s30], $0x1000  }
0xac: {  	[sflag:s30] =	ssyncset.done $0x0  }
0xad: {  	[sflag:s30] =	ssyncadd.s32 $0xFFFFF000  }
0xae: {  	s17 =	sadd.s32 $0x600, s17  }
0xaf: {  	[tilespmem:s18], [sflag:$0x1] =	stream.linear.gather [hbm4b:s17+s3], $0x1000, $0x38;
	[tilespmem:$0x1E9C0] =	vst v63  }
0xb0: {  	s7 =	sadd.s32 $0x600, s7  }
0xb1: {  	[tilespmem:s19], [sflag:$0x1] =	stream.linear.gather [hbm4b:s7+s3], $0x1000, $0x38;
	[tilespmem:$0x1E9C0] =	vst v63  }
0xb2: {  	s17 =	sadd.s32 $0x30, s14  }
0xb3: {  	[tilespmem:s20], [sflag:$0x1] =	stream.linear.gather [hbm4b:s17+s3], $0x80, $0x38;
	[tilespmem:$0x1E9C0] =	vst v63  }
0xb4: {  	s31 =	sadd.s32 $0x30, s8  }
0xb5: {  	[tilespmem:s21], [sflag:$0x1] =	stream.linear.gather [hbm4b:s31+s3], $0x80, $0x38;
	[tilespmem:$0x1E9C0] =	vst v63  }
0xb6: {  	_ =	swait.ge [sflag:s0], $0x1000  }
0xb7: {  	[sflag:s0] =	ssyncset.done $0x0  }
0xb8: {  	[sflag:s0] =	ssyncadd.s32 $0xFFFFF000  }
0xb9: {  	_ =	swait.ge [sflag:s0], $0x1000  }
0xba: {  	[sflag:s0] =	ssyncset.done $0x0  }
0xbb: {  	[sflag:s0] =	ssyncadd.s32 $0xFFFFF000  }
0xbc: {  	_ =	swait.ge [sflag:s0], $0x80  }
0xbd: {  	[sflag:s0] =	ssyncset.done $0x0  }
0xbe: {  	[sflag:s0] =	ssyncadd.s32 $0xFFFFFF80  }
0xbf: {  	_ =	swait.ge [sflag:s0], $0x80  }
0xc0: {  	[sflag:s0] =	ssyncset.done $0x0  }
0xc1: {  	[sflag:s0] =	ssyncadd.s32 $0xFFFFFF80  }
0xc2: {  	v1 =	vld [tilespmem:$0x1E7C0]  }
0xc3: {  	v2 =	vld [tilespmem:$0x1E940]  }
0xc4: {  	v3 =	vld [tilespmem:$0x1E7D0]  }
0xc5: {  	v4 =	vld [tilespmem:$0x1E950]  }
0xc6: {  	v5 =	vld [tilespmem:$0x1E7E0]  }
0xc7: {  	v6 =	vld [tilespmem:$0x1E960];
	v1 =	vsub.s32 v1, v0  }
0xc8: {  	v7 =	vld [tilespmem:$0x1E7F0];
	v2 =	vsub.s32 v2, v0;
	v1 =	vmin.u32 v1, $0xC350  }
0xc9: {  	[tilespmem:$0x1E7C0] =	vst v1;
	v1 =	vmin.u32 v2, $0xC350;
	v2 =	vsub.s32 v3, v0;
	v3 =	vld [tilespmem:$0x1E970]  }
0xca: {  	v57 =	vld [tilespmem:$0x1E800];
	[tilespmem:$0x1E940] =	vst v1;
	v1 =	vmin.u32 v2, $0xC350;
	v2 =	vsub.s32 v4, v0  }
0xcb: {  	v58 =	vld [tilespmem:$0x1E980];
	[tilespmem:$0x1E7D0] =	vst v1;
	v1 =	vmin.u32 v2, $0xC350;
	v2 =	vsub.s32 v5, v0  }
0xcc: {  	v59 =	vld [tilespmem:$0x1E810];
	[tilespmem:$0x1E950] =	vst v1;
	v1 =	vmin.u32 v2, $0xC350;
	v2 =	vsub.s32 v6, v0  }
0xcd: {  	v60 =	vld [tilespmem:$0x1E990];
	[tilespmem:$0x1E7E0] =	vst v1;
	v1 =	vmin.u32 v2, $0xC350;
	v2 =	vsub.s32 v7, v0  }
0xce: {  	[tilespmem:$0x1E960] =	vst v1;
	v1 =	vmin.u32 v2, $0xC350;
	v2 =	vsub.s32 v3, v0;
	v3 =	vld [tilespmem:$0x1E820]  }
0xcf: {  	v61 =	vld [tilespmem:$0x1E9A0];
	[tilespmem:$0x1E7F0] =	vst v1;
	v1 =	vmin.u32 v2, $0xC350;
	v2 =	vsub.s32 v57, v0  }
0xd0: {  	v62 =	vld [tilespmem:$0x1E830];
	[tilespmem:$0x1E970] =	vst v1;
	v1 =	vmin.u32 v2, $0xC350;
	v2 =	vsub.s32 v58, v0  }
0xd1: {  	v63 =	vld [tilespmem:$0x1E9B0];
	[tilespmem:$0x1E800] =	vst v1;
	v1 =	vmin.u32 v2, $0xC350;
	v2 =	vsub.s32 v59, v0  }
0xd2: {  	[tilespmem:$0x1E980] =	vst v1;
	v1 =	vmin.u32 v2, $0xC350;
	v2 =	vsub.s32 v60, v0  }
0xd3: {  	[tilespmem:$0x1E810] =	vst v1;
	v1 =	vmin.u32 v2, $0xC350;
	v2 =	vsub.s32 v3, v0  }
0xd4: {  	[tilespmem:$0x1E990] =	vst v1;
	v1 =	vmin.u32 v2, $0xC350;
	v2 =	vsub.s32 v61, v0  }
0xd5: {  	[tilespmem:$0x1E820] =	vst v1;
	v1 =	vmin.u32 v2, $0xC350;
	v2 =	vsub.s32 v62, v0  }
0xd6: {  	[tilespmem:$0x1E9A0] =	vst v1;
	v1 =	vmin.u32 v2, $0xC350;
	v2 =	vsub.s32 v63, v0  }
.Ltmp3:
0xd7: {  	[tilespmem:$0x1E830] =	vst v1;
	v1 =	vmin.u32 v2, $0xC350;
	(pc) =	sbr.rel .LBB2_2-.Ltmp3, $4  }
0xd8: {  	[tilespmem:$0x1E9B0] =	vst v1  }
0xd9: {  	[spmem:s2] =	stream.indirect.scatter.add.f32 [tilespmem:s6], [sflag:$0x6], $0x20, s1, s28, $0xb8;
	[tilespmem:$0x1E9C0] =	vst v63  }
0xda: {  	s16 =	sadd.s32 $0x600, s16;
	s15 =	sadd.s32 $0x30, s15;
	s13 =	sadd.s32 $0x30, s13  }
0xdb: {  	[spmem:s2] =	stream.indirect.scatter.add.f32 [tilespmem:s12], [sflag:$0x6], $0x20, s4, s28, $0xb8;
	[tilespmem:$0x1E9C0] =	vst v63  }
.LBB2_5:
0xdc: {  	_ =	sfence.sel $0x180000  }
0xdd: {  	[bflag:$0x0] =	sbarrier.arrive $0xFFFF  }
0xde: {  	_ =	strace $0x90000047  }
0xdf: {  	s0 =	stileid.u32;
	[bflag:$0x2] =	sbarrier.arrive $0xFFFF  }
0xe0: {  	p0 =	sne.s32 s0, $0x0;
	s0 =	rddreg [dreg:$0x3]  }
0xe1: {  	s0 =	sadd.s32 @!p0 $0x100000, s0  }
0xe2: {  	[sflag:s0] =	ssyncadd.tile.s32 @!p0 $0x1;
	_ =	shalt  }
.Lfunc_end2:
_tile_overlayer_lowered:
.L_overlay_start_2:
0xe3: {  	(tag) =	ssettag $0x2  }
0xe4: {  	s0 =	rddreg [dreg:$0x0];
	s2 =	stileid.u32  }
0xe5: {  	s1 =	rddreg [dreg:$0x1];
	p0 =	sne.s32 s2, $0x0  }
0xe6: {  	s3 =	rddreg [dreg:$0x2];
	[bflag:$0x3] =	sbarrier.arrive $0xFFFF;
	s2 =	simm.s32 @!p0 $0x1C07  }
0xe7: {  	[timem:s3], [sflag:s2] =	dma.local @!p0 [hbm:s0], s1  }
0xe8: {  	s0 =	simm.s32 @!p0 $0x7  }
0xe9: {  	_ =	swait.ge @!p0 [sflag:s0], s1  }
0xea: {  	s1 =	ssub.s32 @!p0 $0x0, s1;
	[sflag:s0] =	ssyncset.done @!p0 $0x0  }
0xeb: {  	[sflag:s0] =	ssyncadd.s32 @!p0 s1  }
0xec: {  	[bflag:$0x3] =	sbarrier.arrive $0xFFFF  }
0xed: {  	_ =	shalt  }

</sc_bundles>
